<compile_context>
chip_gen: v7x
topology: tpu7x:2x2x1
jax: 0.10.2.dev20260603
libtpu: 0.0.44.dev20260713+nightly
codegen_flags: <defaults>
</compile_context>

<pallas_src>
import functools

import jax
import jax.numpy as jnp
from jax import lax
from jax.experimental import pallas as pl
from jax.experimental.pallas import tpu as pltpu
from jax.experimental.pallas import tpu_sc as plsc

_CHUNK = 128
_NBUF = 4
_INFLIGHT = 3


def kernel(h_idx, r_idx, t_idx, entity_emb, relation_emb):
    B = h_idx.shape[0]
    D = entity_emb.shape[1]
    info = plsc.get_sparse_core_info()
    NC, NS = info.num_cores, info.num_subcores
    NW = NC * NS
    b_per_w = B // NW
    n_chunks = b_per_w // _CHUNK

    mesh = plsc.VectorSubcoreMesh(core_axis_name="c", subcore_axis_name="s")
    out_sds = jax.ShapeDtypeStruct((B, D), jnp.float32)

    @functools.partial(
        pl.kernel,
        mesh=mesh,
        out_type=(out_sds, out_sds, out_sds),
        scratch_types=(
            [pltpu.VMEM((3 * b_per_w,), jnp.int32)]
            + [pltpu.VMEM((_CHUNK, D), jnp.float32) for _ in range(_NBUF)]
            + [pltpu.SemaphoreType.DMA for _ in range(2 * _NBUF)]
        ),
    )
    def k(h_hbm, r_hbm, t_hbm, ent_hbm, rel_hbm, h_out, r_out, t_out,
          idx_v, *bufs_and_sems):
        bufs = bufs_and_sems[:_NBUF]
        gsem = bufs_and_sems[_NBUF:2 * _NBUF]
        ssem = bufs_and_sems[2 * _NBUF:]

        wid = lax.axis_index("s") * NC + lax.axis_index("c")
        base = wid * b_per_w

        pltpu.sync_copy(h_hbm.at[pl.ds(base, b_per_w)],
                        idx_v.at[pl.ds(0, b_per_w)])
        pltpu.sync_copy(r_hbm.at[pl.ds(base, b_per_w)],
                        idx_v.at[pl.ds(b_per_w, b_per_w)])
        pltpu.sync_copy(t_hbm.at[pl.ds(base, b_per_w)],
                        idx_v.at[pl.ds(2 * b_per_w, b_per_w)])

        tasks = []
        for t, (table, out) in enumerate(
                ((ent_hbm, h_out), (rel_hbm, r_out), (ent_hbm, t_out))):
            for c in range(n_chunks):
                tasks.append((table, t * b_per_w + c * _CHUNK, out,
                              base + c * _CHUNK))
        T = len(tasks)

        gathers = [None] * T
        stores = [None] * T

        def gather_start(s):
            table, ioff, _, _ = tasks[s]
            b = s % _NBUF
            gathers[s] = pltpu.async_copy(
                table.at[idx_v.at[pl.ds(ioff, _CHUNK)]], bufs[b], gsem[b])

        def store_start(s):
            _, _, out, obase = tasks[s]
            b = s % _NBUF
            stores[s] = pltpu.async_copy(
                bufs[b], out.at[pl.ds(obase, _CHUNK)], ssem[b])

        for s in range(min(_INFLIGHT, T)):
            gather_start(s)
        for s in range(T):
            if s >= 1:
                stores[s - 1].wait()
            if s + _INFLIGHT < T:
                gather_start(s + _INFLIGHT)
            gathers[s].wait()
            store_start(s)
        stores[T - 1].wait()

    return k(h_idx, r_idx, t_idx, entity_emb, relation_emb)

# --- scband reference (transcript-rebuilt; emitter-appended) ---
"""Pipeline reference for scband-base-kgemodel-75239237091449 (READ-ONLY COPY).

The authoritative reference and input builder live on the scoring server;
editing this copy changes nothing except your own understanding.
"""

import jax, jax.numpy as jnp
import numpy as np

NUM_ENTITIES = 100000
NUM_RELATIONS = 1000
EMB_DIM = 128
BATCH = 16384

def setup_inputs(seed: int = 0) -> dict:
    key = jax.random.key(seed)
    k1, k2, k3, k4, k5 = jax.random.split(key, 5)
    h_idx = jax.random.randint(k1, (BATCH,), 0, NUM_ENTITIES, dtype=jnp.int64 if jax.config.jax_enable_x64 else jnp.int32).astype(jnp.int32)
    r_idx = jax.random.randint(k2, (BATCH,), 0, NUM_RELATIONS).astype(jnp.int32)
    t_idx = jax.random.randint(k3, (BATCH,), 0, NUM_ENTITIES).astype(jnp.int32)
    entity_emb = jax.random.normal(k4, (NUM_ENTITIES, EMB_DIM), dtype=jnp.float32)
    relation_emb = jax.random.normal(k5, (NUM_RELATIONS, EMB_DIM), dtype=jnp.float32)
    return {"h_idx": h_idx, "r_idx": r_idx, "t_idx": t_idx, "entity_emb": entity_emb, "relation_emb": relation_emb}

def reference(h_idx, r_idx, t_idx, entity_emb, relation_emb):
    # Faithful translation of BaseKGEModel.get_embeddings:
    # h = entity_emb(h_idx); r = relation_emb(r_idx); t = entity_emb(t_idx)
    h = jnp.take(entity_emb, h_idx, axis=0)
    r = jnp.take(relation_emb, r_idx, axis=0)
    t = jnp.take(entity_emb, t_idx, axis=0)
    return (h, r, t)

if __name__ == "__main__":
    import jax
    _d = setup_inputs()
    print(jax.jit(kernel)(*tuple(_d.values())))

</pallas_src>

<mosaic_0001>
#map = affine_map<(d0, d1) -> (0)>
#map1 = affine_map<(d0, d1) -> (0, 0)>
module attributes {stable_mosaic.version = 14 : i64} {
  func.func @k(%arg0: i32, %arg1: i32, %arg2: memref<16384xi32, #tpu.memory_space<hbm>>, %arg3: memref<16384xi32, #tpu.memory_space<hbm>>, %arg4: memref<16384xi32, #tpu.memory_space<hbm>>, %arg5: memref<100000x128xf32, #tpu.memory_space<hbm>>, %arg6: memref<1000x128xf32, #tpu.memory_space<hbm>>, %arg7: memref<16384x128xf32, #tpu.memory_space<hbm>>, %arg8: memref<16384x128xf32, #tpu.memory_space<hbm>>, %arg9: memref<16384x128xf32, #tpu.memory_space<hbm>>, %arg10: memref<1536xi32, #tpu.memory_space<vmem>>, %arg11: memref<128x128xf32, #tpu.memory_space<vmem>>, %arg12: memref<128x128xf32, #tpu.memory_space<vmem>>, %arg13: memref<128x128xf32, #tpu.memory_space<vmem>>, %arg14: memref<128x128xf32, #tpu.memory_space<vmem>>, %arg15: memref<!tpu.dma_semaphore, #tpu.memory_space<semaphore_mem>>, %arg16: memref<!tpu.dma_semaphore, #tpu.memory_space<semaphore_mem>>, %arg17: memref<!tpu.dma_semaphore, #tpu.memory_space<semaphore_mem>>, %arg18: memref<!tpu.dma_semaphore, #tpu.memory_space<semaphore_mem>>, %arg19: memref<!tpu.dma_semaphore, #tpu.memory_space<semaphore_mem>>, %arg20: memref<!tpu.dma_semaphore, #tpu.memory_space<semaphore_mem>>, %arg21: memref<!tpu.dma_semaphore, #tpu.memory_space<semaphore_mem>>, %arg22: memref<!tpu.dma_semaphore, #tpu.memory_space<semaphore_mem>>) attributes {dimension_semantics = [#tpu.dimension_semantics<core_parallel>, #tpu.dimension_semantics<subcore_parallel>], iteration_bounds = array<i64: 2, 16>, scalar_prefetch = 0 : i64, scratch_operands = 13 : i64, tpu.core_type = #tpu.core_type<sc_vector_subcore>, window_params = [{transform_indices = #map}, {transform_indices = #map}, {transform_indices = #map}, {transform_indices = #map1}, {transform_indices = #map1}, {transform_indices = #map1}, {transform_indices = #map1}, {transform_indices = #map1}]} {
    %mul3A = arith.constant 2 : i32
    %mul3A_0 = arith.muli %arg1, %mul3A : i32
    %add3A = arith.addi %mul3A_0, %arg0 : i32
    %mul3A_1 = arith.constant 512 : i32
    %mul3A_2 = arith.muli %add3A, %mul3A_1 : i32
    "tpu.region"() ({
      %run_scoped3A = tpu.sem_alloc : memref<!tpu.dma_semaphore, #tpu.memory_space<semaphore_mem>>
      %dma_start3A_241 = arith.constant 0 : i32
      %dma_start3A_242 = tpu.memref_slice %arg10[%dma_start3A_241] : memref<1536xi32, #tpu.memory_space<vmem>> -> memref<512xi32, #tpu.memory_space<vmem>>
      %dma_start3A_243 = tpu.memref_slice %arg2[%mul3A_2] : memref<16384xi32, #tpu.memory_space<hbm>> -> memref<512xi32, #tpu.memory_space<hbm>>
      %dma_start3A_244 = arith.constant 0 : i32
      %dma_start3A_245 = tpu.memref_slice %arg10[%dma_start3A_244] : memref<1536xi32, #tpu.memory_space<vmem>> -> memref<512xi32, #tpu.memory_space<vmem>>
      %dma_start3A_246 = tpu.memref_slice %arg2[%mul3A_2] : memref<16384xi32, #tpu.memory_space<hbm>> -> memref<512xi32, #tpu.memory_space<hbm>>
      tpu.enqueue_dma source(%dma_start3A_246 : memref<512xi32, #tpu.memory_space<hbm>>) target(%dma_start3A_245 : memref<512xi32, #tpu.memory_space<vmem>>) target_semaphore(%run_scoped3A : memref<!tpu.dma_semaphore, #tpu.memory_space<semaphore_mem>>)
      %dma_wait3A_247 = arith.constant 0 : i32
      %dma_wait3A_248 = tpu.memref_slice %arg10[%dma_wait3A_247] : memref<1536xi32, #tpu.memory_space<vmem>> -> memref<512xi32, #tpu.memory_space<vmem>>
      %dma_wait3A_249 = tpu.memref_slice %arg2[%mul3A_2] : memref<16384xi32, #tpu.memory_space<hbm>> -> memref<512xi32, #tpu.memory_space<hbm>>
      %dma_wait3A_250 = arith.constant 0 : i32
      %dma_wait3A_251 = tpu.memref_slice %arg10[%dma_wait3A_250] : memref<1536xi32, #tpu.memory_space<vmem>> -> memref<512xi32, #tpu.memory_space<vmem>>
      %dma_wait3A_252 = tpu.memref_slice %arg2[%mul3A_2] : memref<16384xi32, #tpu.memory_space<hbm>> -> memref<512xi32, #tpu.memory_space<hbm>>
      tpu.wait_dma2 semaphore(%run_scoped3A : memref<!tpu.dma_semaphore, #tpu.memory_space<semaphore_mem>>) src(%dma_wait3A_252 : memref<512xi32, #tpu.memory_space<hbm>>) dst(%dma_wait3A_251 : memref<512xi32, #tpu.memory_space<vmem>>)
      tpu.yield
    }) : () -> ()
    "tpu.region"() ({
      %run_scoped3A = tpu.sem_alloc : memref<!tpu.dma_semaphore, #tpu.memory_space<semaphore_mem>>
      %dma_start3A_241 = arith.constant 512 : i32
      %dma_start3A_242 = tpu.memref_slice %arg10[%dma_start3A_241] : memref<1536xi32, #tpu.memory_space<vmem>> -> memref<512xi32, #tpu.memory_space<vmem>>
      %dma_start3A_243 = tpu.memref_slice %arg3[%mul3A_2] : memref<16384xi32, #tpu.memory_space<hbm>> -> memref<512xi32, #tpu.memory_space<hbm>>
      %dma_start3A_244 = arith.constant 512 : i32
      %dma_start3A_245 = tpu.memref_slice %arg10[%dma_start3A_244] : memref<1536xi32, #tpu.memory_space<vmem>> -> memref<512xi32, #tpu.memory_space<vmem>>
      %dma_start3A_246 = tpu.memref_slice %arg3[%mul3A_2] : memref<16384xi32, #tpu.memory_space<hbm>> -> memref<512xi32, #tpu.memory_space<hbm>>
      tpu.enqueue_dma source(%dma_start3A_246 : memref<512xi32, #tpu.memory_space<hbm>>) target(%dma_start3A_245 : memref<512xi32, #tpu.memory_space<vmem>>) target_semaphore(%run_scoped3A : memref<!tpu.dma_semaphore, #tpu.memory_space<semaphore_mem>>)
      %dma_wait3A_247 = arith.constant 512 : i32
      %dma_wait3A_248 = tpu.memref_slice %arg10[%dma_wait3A_247] : memref<1536xi32, #tpu.memory_space<vmem>> -> memref<512xi32, #tpu.memory_space<vmem>>
      %dma_wait3A_249 = tpu.memref_slice %arg3[%mul3A_2] : memref<16384xi32, #tpu.memory_space<hbm>> -> memref<512xi32, #tpu.memory_space<hbm>>
      %dma_wait3A_250 = arith.constant 512 : i32
      %dma_wait3A_251 = tpu.memref_slice %arg10[%dma_wait3A_250] : memref<1536xi32, #tpu.memory_space<vmem>> -> memref<512xi32, #tpu.memory_space<vmem>>
      %dma_wait3A_252 = tpu.memref_slice %arg3[%mul3A_2] : memref<16384xi32, #tpu.memory_space<hbm>> -> memref<512xi32, #tpu.memory_space<hbm>>
      tpu.wait_dma2 semaphore(%run_scoped3A : memref<!tpu.dma_semaphore, #tpu.memory_space<semaphore_mem>>) src(%dma_wait3A_252 : memref<512xi32, #tpu.memory_space<hbm>>) dst(%dma_wait3A_251 : memref<512xi32, #tpu.memory_space<vmem>>)
      tpu.yield
    }) : () -> ()
    "tpu.region"() ({
      %run_scoped3A = tpu.sem_alloc : memref<!tpu.dma_semaphore, #tpu.memory_space<semaphore_mem>>
      %dma_start3A_241 = arith.constant 1024 : i32
      %dma_start3A_242 = tpu.memref_slice %arg10[%dma_start3A_241] : memref<1536xi32, #tpu.memory_space<vmem>> -> memref<512xi32, #tpu.memory_space<vmem>>
      %dma_start3A_243 = tpu.memref_slice %arg4[%mul3A_2] : memref<16384xi32, #tpu.memory_space<hbm>> -> memref<512xi32, #tpu.memory_space<hbm>>
      %dma_start3A_244 = arith.constant 1024 : i32
      %dma_start3A_245 = tpu.memref_slice %arg10[%dma_start3A_244] : memref<1536xi32, #tpu.memory_space<vmem>> -> memref<512xi32, #tpu.memory_space<vmem>>
      %dma_start3A_246 = tpu.memref_slice %arg4[%mul3A_2] : memref<16384xi32, #tpu.memory_space<hbm>> -> memref<512xi32, #tpu.memory_space<hbm>>
      tpu.enqueue_dma source(%dma_start3A_246 : memref<512xi32, #tpu.memory_space<hbm>>) target(%dma_start3A_245 : memref<512xi32, #tpu.memory_space<vmem>>) target_semaphore(%run_scoped3A : memref<!tpu.dma_semaphore, #tpu.memory_space<semaphore_mem>>)
      %dma_wait3A_247 = arith.constant 1024 : i32
      %dma_wait3A_248 = tpu.memref_slice %arg10[%dma_wait3A_247] : memref<1536xi32, #tpu.memory_space<vmem>> -> memref<512xi32, #tpu.memory_space<vmem>>
      %dma_wait3A_249 = tpu.memref_slice %arg4[%mul3A_2] : memref<16384xi32, #tpu.memory_space<hbm>> -> memref<512xi32, #tpu.memory_space<hbm>>
      %dma_wait3A_250 = arith.constant 1024 : i32
      %dma_wait3A_251 = tpu.memref_slice %arg10[%dma_wait3A_250] : memref<1536xi32, #tpu.memory_space<vmem>> -> memref<512xi32, #tpu.memory_space<vmem>>
      %dma_wait3A_252 = tpu.memref_slice %arg4[%mul3A_2] : memref<16384xi32, #tpu.memory_space<hbm>> -> memref<512xi32, #tpu.memory_space<hbm>>
      tpu.wait_dma2 semaphore(%run_scoped3A : memref<!tpu.dma_semaphore, #tpu.memory_space<semaphore_mem>>) src(%dma_wait3A_252 : memref<512xi32, #tpu.memory_space<hbm>>) dst(%dma_wait3A_251 : memref<512xi32, #tpu.memory_space<vmem>>)
      tpu.yield
    }) : () -> ()
    %add3A_3 = arith.constant 0 : i32
    %add3A_4 = arith.addi %mul3A_2, %add3A_3 : i32
    %add3A_5 = arith.constant 128 : i32
    %add3A_6 = arith.addi %mul3A_2, %add3A_5 : i32
    %add3A_7 = arith.constant 256 : i32
    %add3A_8 = arith.addi %mul3A_2, %add3A_7 : i32
    %add3A_9 = arith.constant 384 : i32
    %add3A_10 = arith.addi %mul3A_2, %add3A_9 : i32
    %add3A_11 = arith.constant 0 : i32
    %add3A_12 = arith.addi %mul3A_2, %add3A_11 : i32
    %add3A_13 = arith.constant 128 : i32
    %add3A_14 = arith.addi %mul3A_2, %add3A_13 : i32
    %add3A_15 = arith.constant 256 : i32
    %add3A_16 = arith.addi %mul3A_2, %add3A_15 : i32
    %add3A_17 = arith.constant 384 : i32
    %add3A_18 = arith.addi %mul3A_2, %add3A_17 : i32
    %add3A_19 = arith.constant 0 : i32
    %add3A_20 = arith.addi %mul3A_2, %add3A_19 : i32
    %add3A_21 = arith.constant 128 : i32
    %add3A_22 = arith.addi %mul3A_2, %add3A_21 : i32
    %add3A_23 = arith.constant 256 : i32
    %add3A_24 = arith.addi %mul3A_2, %add3A_23 : i32
    %add3A_25 = arith.constant 384 : i32
    %add3A_26 = arith.addi %mul3A_2, %add3A_25 : i32
    %dma_start3A = arith.constant 0 : i32
    %dma_start3A_27 = tpu.memref_slice %arg10[%dma_start3A] : memref<1536xi32, #tpu.memory_space<vmem>> -> memref<128xi32, #tpu.memory_space<vmem>>
    %dma_start3A_28 = arith.constant 0 : i32
    %dma_start3A_29 = arith.constant 0 : i32
    %dma_start3A_30 = tpu.memref_slice %arg5[%dma_start3A_28, %dma_start3A_29] : memref<100000x128xf32, #tpu.memory_space<hbm>> -> memref<100000x128xf32, #tpu.memory_space<hbm>>
    tpu.enqueue_indirect_dma source(%dma_start3A_30 : memref<100000x128xf32, #tpu.memory_space<hbm>>) target(%arg11 : memref<128x128xf32, #tpu.memory_space<vmem>>) offsets(%dma_start3A_27 : memref<128xi32, #tpu.memory_space<vmem>>) semaphore(%arg15 : memref<!tpu.dma_semaphore, #tpu.memory_space<semaphore_mem>>)
    %dma_start3A_31 = arith.constant 128 : i32
    %dma_start3A_32 = tpu.memref_slice %arg10[%dma_start3A_31] : memref<1536xi32, #tpu.memory_space<vmem>> -> memref<128xi32, #tpu.memory_space<vmem>>
    %dma_start3A_33 = arith.constant 0 : i32
    %dma_start3A_34 = arith.constant 0 : i32
    %dma_start3A_35 = tpu.memref_slice %arg5[%dma_start3A_33, %dma_start3A_34] : memref<100000x128xf32, #tpu.memory_space<hbm>> -> memref<100000x128xf32, #tpu.memory_space<hbm>>
    tpu.enqueue_indirect_dma source(%dma_start3A_35 : memref<100000x128xf32, #tpu.memory_space<hbm>>) target(%arg12 : memref<128x128xf32, #tpu.memory_space<vmem>>) offsets(%dma_start3A_32 : memref<128xi32, #tpu.memory_space<vmem>>) semaphore(%arg16 : memref<!tpu.dma_semaphore, #tpu.memory_space<semaphore_mem>>)
    %dma_start3A_36 = arith.constant 256 : i32
    %dma_start3A_37 = tpu.memref_slice %arg10[%dma_start3A_36] : memref<1536xi32, #tpu.memory_space<vmem>> -> memref<128xi32, #tpu.memory_space<vmem>>
    %dma_start3A_38 = arith.constant 0 : i32
    %dma_start3A_39 = arith.constant 0 : i32
    %dma_start3A_40 = tpu.memref_slice %arg5[%dma_start3A_38, %dma_start3A_39] : memref<100000x128xf32, #tpu.memory_space<hbm>> -> memref<100000x128xf32, #tpu.memory_space<hbm>>
    tpu.enqueue_indirect_dma source(%dma_start3A_40 : memref<100000x128xf32, #tpu.memory_space<hbm>>) target(%arg13 : memref<128x128xf32, #tpu.memory_space<vmem>>) offsets(%dma_start3A_37 : memref<128xi32, #tpu.memory_space<vmem>>) semaphore(%arg17 : memref<!tpu.dma_semaphore, #tpu.memory_space<semaphore_mem>>)
    %dma_start3A_41 = arith.constant 384 : i32
    %dma_start3A_42 = tpu.memref_slice %arg10[%dma_start3A_41] : memref<1536xi32, #tpu.memory_space<vmem>> -> memref<128xi32, #tpu.memory_space<vmem>>
    %dma_start3A_43 = arith.constant 0 : i32
    %dma_start3A_44 = arith.constant 0 : i32
    %dma_start3A_45 = tpu.memref_slice %arg5[%dma_start3A_43, %dma_start3A_44] : memref<100000x128xf32, #tpu.memory_space<hbm>> -> memref<100000x128xf32, #tpu.memory_space<hbm>>
    tpu.enqueue_indirect_dma source(%dma_start3A_45 : memref<100000x128xf32, #tpu.memory_space<hbm>>) target(%arg14 : memref<128x128xf32, #tpu.memory_space<vmem>>) offsets(%dma_start3A_42 : memref<128xi32, #tpu.memory_space<vmem>>) semaphore(%arg18 : memref<!tpu.dma_semaphore, #tpu.memory_space<semaphore_mem>>)
    %dma_wait3A = arith.constant 0 : i32
    %dma_wait3A_46 = tpu.memref_slice %arg10[%dma_wait3A] : memref<1536xi32, #tpu.memory_space<vmem>> -> memref<128xi32, #tpu.memory_space<vmem>>
    %dma_wait3A_47 = arith.constant 0 : i32
    %dma_wait3A_48 = arith.constant 0 : i32
    %dma_wait3A_49 = tpu.memref_slice %arg5[%dma_wait3A_47, %dma_wait3A_48] : memref<100000x128xf32, #tpu.memory_space<hbm>> -> memref<100000x128xf32, #tpu.memory_space<hbm>>
    tpu.wait_indirect_dma semaphore(%arg15 : memref<!tpu.dma_semaphore, #tpu.memory_space<semaphore_mem>>) src(%dma_wait3A_49 : memref<100000x128xf32, #tpu.memory_space<hbm>>) dst(%arg11 : memref<128x128xf32, #tpu.memory_space<vmem>>)
    %dma_start3A_50 = arith.constant 0 : i32
    %dma_start3A_51 = tpu.memref_slice %arg7[%add3A_4, %dma_start3A_50] : memref<16384x128xf32, #tpu.memory_space<hbm>> -> memref<128x128xf32, #tpu.memory_space<hbm>>
    %dma_start3A_52 = arith.constant 0 : i32
    %dma_start3A_53 = tpu.memref_slice %arg7[%add3A_4, %dma_start3A_52] : memref<16384x128xf32, #tpu.memory_space<hbm>> -> memref<128x128xf32, #tpu.memory_space<hbm>>
    tpu.enqueue_dma source(%arg11 : memref<128x128xf32, #tpu.memory_space<vmem>>) target(%dma_start3A_53 : memref<128x128xf32, #tpu.memory_space<hbm>>) target_semaphore(%arg19 : memref<!tpu.dma_semaphore, #tpu.memory_space<semaphore_mem>>)
    %dma_wait3A_54 = arith.constant 0 : i32
    %dma_wait3A_55 = tpu.memref_slice %arg7[%add3A_4, %dma_wait3A_54] : memref<16384x128xf32, #tpu.memory_space<hbm>> -> memref<128x128xf32, #tpu.memory_space<hbm>>
    %dma_wait3A_56 = arith.constant 0 : i32
    %dma_wait3A_57 = tpu.memref_slice %arg7[%add3A_4, %dma_wait3A_56] : memref<16384x128xf32, #tpu.memory_space<hbm>> -> memref<128x128xf32, #tpu.memory_space<hbm>>
    tpu.wait_dma2 semaphore(%arg19 : memref<!tpu.dma_semaphore, #tpu.memory_space<semaphore_mem>>) src(%arg11 : memref<128x128xf32, #tpu.memory_space<vmem>>) dst(%dma_wait3A_57 : memref<128x128xf32, #tpu.memory_space<hbm>>)
    %dma_start3A_58 = arith.constant 512 : i32
    %dma_start3A_59 = tpu.memref_slice %arg10[%dma_start3A_58] : memref<1536xi32, #tpu.memory_space<vmem>> -> memref<128xi32, #tpu.memory_space<vmem>>
    %dma_start3A_60 = arith.constant 0 : i32
    %dma_start3A_61 = arith.constant 0 : i32
    %dma_start3A_62 = tpu.memref_slice %arg6[%dma_start3A_60, %dma_start3A_61] : memref<1000x128xf32, #tpu.memory_space<hbm>> -> memref<1000x128xf32, #tpu.memory_space<hbm>>
    tpu.enqueue_indirect_dma source(%dma_start3A_62 : memref<1000x128xf32, #tpu.memory_space<hbm>>) target(%arg11 : memref<128x128xf32, #tpu.memory_space<vmem>>) offsets(%dma_start3A_59 : memref<128xi32, #tpu.memory_space<vmem>>) semaphore(%arg15 : memref<!tpu.dma_semaphore, #tpu.memory_space<semaphore_mem>>)
    %dma_wait3A_63 = arith.constant 128 : i32
    %dma_wait3A_64 = tpu.memref_slice %arg10[%dma_wait3A_63] : memref<1536xi32, #tpu.memory_space<vmem>> -> memref<128xi32, #tpu.memory_space<vmem>>
    %dma_wait3A_65 = arith.constant 0 : i32
    %dma_wait3A_66 = arith.constant 0 : i32
    %dma_wait3A_67 = tpu.memref_slice %arg5[%dma_wait3A_65, %dma_wait3A_66] : memref<100000x128xf32, #tpu.memory_space<hbm>> -> memref<100000x128xf32, #tpu.memory_space<hbm>>
    tpu.wait_indirect_dma semaphore(%arg16 : memref<!tpu.dma_semaphore, #tpu.memory_space<semaphore_mem>>) src(%dma_wait3A_67 : memref<100000x128xf32, #tpu.memory_space<hbm>>) dst(%arg12 : memref<128x128xf32, #tpu.memory_space<vmem>>)
    %dma_start3A_68 = arith.constant 0 : i32
    %dma_start3A_69 = tpu.memref_slice %arg7[%add3A_6, %dma_start3A_68] : memref<16384x128xf32, #tpu.memory_space<hbm>> -> memref<128x128xf32, #tpu.memory_space<hbm>>
    %dma_start3A_70 = arith.constant 0 : i32
    %dma_start3A_71 = tpu.memref_slice %arg7[%add3A_6, %dma_start3A_70] : memref<16384x128xf32, #tpu.memory_space<hbm>> -> memref<128x128xf32, #tpu.memory_space<hbm>>
    tpu.enqueue_dma source(%arg12 : memref<128x128xf32, #tpu.memory_space<vmem>>) target(%dma_start3A_71 : memref<128x128xf32, #tpu.memory_space<hbm>>) target_semaphore(%arg20 : memref<!tpu.dma_semaphore, #tpu.memory_space<semaphore_mem>>)
    %dma_wait3A_72 = arith.constant 0 : i32
    %dma_wait3A_73 = tpu.memref_slice %arg7[%add3A_6, %dma_wait3A_72] : memref<16384x128xf32, #tpu.memory_space<hbm>> -> memref<128x128xf32, #tpu.memory_space<hbm>>
    %dma_wait3A_74 = arith.constant 0 : i32
    %dma_wait3A_75 = tpu.memref_slice %arg7[%add3A_6, %dma_wait3A_74] : memref<16384x128xf32, #tpu.memory_space<hbm>> -> memref<128x128xf32, #tpu.memory_space<hbm>>
    tpu.wait_dma2 semaphore(%arg20 : memref<!tpu.dma_semaphore, #tpu.memory_space<semaphore_mem>>) src(%arg12 : memref<128x128xf32, #tpu.memory_space<vmem>>) dst(%dma_wait3A_75 : memref<128x128xf32, #tpu.memory_space<hbm>>)
    %dma_start3A_76 = arith.constant 640 : i32
    %dma_start3A_77 = tpu.memref_slice %arg10[%dma_start3A_76] : memref<1536xi32, #tpu.memory_space<vmem>> -> memref<128xi32, #tpu.memory_space<vmem>>
    %dma_start3A_78 = arith.constant 0 : i32
    %dma_start3A_79 = arith.constant 0 : i32
    %dma_start3A_80 = tpu.memref_slice %arg6[%dma_start3A_78, %dma_start3A_79] : memref<1000x128xf32, #tpu.memory_space<hbm>> -> memref<1000x128xf32, #tpu.memory_space<hbm>>
    tpu.enqueue_indirect_dma source(%dma_start3A_80 : memref<1000x128xf32, #tpu.memory_space<hbm>>) target(%arg12 : memref<128x128xf32, #tpu.memory_space<vmem>>) offsets(%dma_start3A_77 : memref<128xi32, #tpu.memory_space<vmem>>) semaphore(%arg16 : memref<!tpu.dma_semaphore, #tpu.memory_space<semaphore_mem>>)
    %dma_wait3A_81 = arith.constant 256 : i32
    %dma_wait3A_82 = tpu.memref_slice %arg10[%dma_wait3A_81] : memref<1536xi32, #tpu.memory_space<vmem>> -> memref<128xi32, #tpu.memory_space<vmem>>
    %dma_wait3A_83 = arith.constant 0 : i32
    %dma_wait3A_84 = arith.constant 0 : i32
    %dma_wait3A_85 = tpu.memref_slice %arg5[%dma_wait3A_83, %dma_wait3A_84] : memref<100000x128xf32, #tpu.memory_space<hbm>> -> memref<100000x128xf32, #tpu.memory_space<hbm>>
    tpu.wait_indirect_dma semaphore(%arg17 : memref<!tpu.dma_semaphore, #tpu.memory_space<semaphore_mem>>) src(%dma_wait3A_85 : memref<100000x128xf32, #tpu.memory_space<hbm>>) dst(%arg13 : memref<128x128xf32, #tpu.memory_space<vmem>>)
    %dma_start3A_86 = arith.constant 0 : i32
    %dma_start3A_87 = tpu.memref_slice %arg7[%add3A_8, %dma_start3A_86] : memref<16384x128xf32, #tpu.memory_space<hbm>> -> memref<128x128xf32, #tpu.memory_space<hbm>>
    %dma_start3A_88 = arith.constant 0 : i32
    %dma_start3A_89 = tpu.memref_slice %arg7[%add3A_8, %dma_start3A_88] : memref<16384x128xf32, #tpu.memory_space<hbm>> -> memref<128x128xf32, #tpu.memory_space<hbm>>
    tpu.enqueue_dma source(%arg13 : memref<128x128xf32, #tpu.memory_space<vmem>>) target(%dma_start3A_89 : memref<128x128xf32, #tpu.memory_space<hbm>>) target_semaphore(%arg21 : memref<!tpu.dma_semaphore, #tpu.memory_space<semaphore_mem>>)
    %dma_wait3A_90 = arith.constant 0 : i32
    %dma_wait3A_91 = tpu.memref_slice %arg7[%add3A_8, %dma_wait3A_90] : memref<16384x128xf32, #tpu.memory_space<hbm>> -> memref<128x128xf32, #tpu.memory_space<hbm>>
    %dma_wait3A_92 = arith.constant 0 : i32
    %dma_wait3A_93 = tpu.memref_slice %arg7[%add3A_8, %dma_wait3A_92] : memref<16384x128xf32, #tpu.memory_space<hbm>> -> memref<128x128xf32, #tpu.memory_space<hbm>>
    tpu.wait_dma2 semaphore(%arg21 : memref<!tpu.dma_semaphore, #tpu.memory_space<semaphore_mem>>) src(%arg13 : memref<128x128xf32, #tpu.memory_space<vmem>>) dst(%dma_wait3A_93 : memref<128x128xf32, #tpu.memory_space<hbm>>)
    %dma_start3A_94 = arith.constant 768 : i32
    %dma_start3A_95 = tpu.memref_slice %arg10[%dma_start3A_94] : memref<1536xi32, #tpu.memory_space<vmem>> -> memref<128xi32, #tpu.memory_space<vmem>>
    %dma_start3A_96 = arith.constant 0 : i32
    %dma_start3A_97 = arith.constant 0 : i32
    %dma_start3A_98 = tpu.memref_slice %arg6[%dma_start3A_96, %dma_start3A_97] : memref<1000x128xf32, #tpu.memory_space<hbm>> -> memref<1000x128xf32, #tpu.memory_space<hbm>>
    tpu.enqueue_indirect_dma source(%dma_start3A_98 : memref<1000x128xf32, #tpu.memory_space<hbm>>) target(%arg13 : memref<128x128xf32, #tpu.memory_space<vmem>>) offsets(%dma_start3A_95 : memref<128xi32, #tpu.memory_space<vmem>>) semaphore(%arg17 : memref<!tpu.dma_semaphore, #tpu.memory_space<semaphore_mem>>)
    %dma_wait3A_99 = arith.constant 384 : i32
    %dma_wait3A_100 = tpu.memref_slice %arg10[%dma_wait3A_99] : memref<1536xi32, #tpu.memory_space<vmem>> -> memref<128xi32, #tpu.memory_space<vmem>>
    %dma_wait3A_101 = arith.constant 0 : i32
    %dma_wait3A_102 = arith.constant 0 : i32
    %dma_wait3A_103 = tpu.memref_slice %arg5[%dma_wait3A_101, %dma_wait3A_102] : memref<100000x128xf32, #tpu.memory_space<hbm>> -> memref<100000x128xf32, #tpu.memory_space<hbm>>
    tpu.wait_indirect_dma semaphore(%arg18 : memref<!tpu.dma_semaphore, #tpu.memory_space<semaphore_mem>>) src(%dma_wait3A_103 : memref<100000x128xf32, #tpu.memory_space<hbm>>) dst(%arg14 : memref<128x128xf32, #tpu.memory_space<vmem>>)
    %dma_start3A_104 = arith.constant 0 : i32
    %dma_start3A_105 = tpu.memref_slice %arg7[%add3A_10, %dma_start3A_104] : memref<16384x128xf32, #tpu.memory_space<hbm>> -> memref<128x128xf32, #tpu.memory_space<hbm>>
    %dma_start3A_106 = arith.constant 0 : i32
    %dma_start3A_107 = tpu.memref_slice %arg7[%add3A_10, %dma_start3A_106] : memref<16384x128xf32, #tpu.memory_space<hbm>> -> memref<128x128xf32, #tpu.memory_space<hbm>>
    tpu.enqueue_dma source(%arg14 : memref<128x128xf32, #tpu.memory_space<vmem>>) target(%dma_start3A_107 : memref<128x128xf32, #tpu.memory_space<hbm>>) target_semaphore(%arg22 : memref<!tpu.dma_semaphore, #tpu.memory_space<semaphore_mem>>)
    %dma_wait3A_108 = arith.constant 0 : i32
    %dma_wait3A_109 = tpu.memref_slice %arg7[%add3A_10, %dma_wait3A_108] : memref<16384x128xf32, #tpu.memory_space<hbm>> -> memref<128x128xf32, #tpu.memory_space<hbm>>
    %dma_wait3A_110 = arith.constant 0 : i32
    %dma_wait3A_111 = tpu.memref_slice %arg7[%add3A_10, %dma_wait3A_110] : memref<16384x128xf32, #tpu.memory_space<hbm>> -> memref<128x128xf32, #tpu.memory_space<hbm>>
    tpu.wait_dma2 semaphore(%arg22 : memref<!tpu.dma_semaphore, #tpu.memory_space<semaphore_mem>>) src(%arg14 : memref<128x128xf32, #tpu.memory_space<vmem>>) dst(%dma_wait3A_111 : memref<128x128xf32, #tpu.memory_space<hbm>>)
    %dma_start3A_112 = arith.constant 896 : i32
    %dma_start3A_113 = tpu.memref_slice %arg10[%dma_start3A_112] : memref<1536xi32, #tpu.memory_space<vmem>> -> memref<128xi32, #tpu.memory_space<vmem>>
    %dma_start3A_114 = arith.constant 0 : i32
    %dma_start3A_115 = arith.constant 0 : i32
    %dma_start3A_116 = tpu.memref_slice %arg6[%dma_start3A_114, %dma_start3A_115] : memref<1000x128xf32, #tpu.memory_space<hbm>> -> memref<1000x128xf32, #tpu.memory_space<hbm>>
    tpu.enqueue_indirect_dma source(%dma_start3A_116 : memref<1000x128xf32, #tpu.memory_space<hbm>>) target(%arg14 : memref<128x128xf32, #tpu.memory_space<vmem>>) offsets(%dma_start3A_113 : memref<128xi32, #tpu.memory_space<vmem>>) semaphore(%arg18 : memref<!tpu.dma_semaphore, #tpu.memory_space<semaphore_mem>>)
    %dma_wait3A_117 = arith.constant 512 : i32
    %dma_wait3A_118 = tpu.memref_slice %arg10[%dma_wait3A_117] : memref<1536xi32, #tpu.memory_space<vmem>> -> memref<128xi32, #tpu.memory_space<vmem>>
    %dma_wait3A_119 = arith.constant 0 : i32
    %dma_wait3A_120 = arith.constant 0 : i32
    %dma_wait3A_121 = tpu.memref_slice %arg6[%dma_wait3A_119, %dma_wait3A_120] : memref<1000x128xf32, #tpu.memory_space<hbm>> -> memref<1000x128xf32, #tpu.memory_space<hbm>>
    tpu.wait_indirect_dma semaphore(%arg15 : memref<!tpu.dma_semaphore, #tpu.memory_space<semaphore_mem>>) src(%dma_wait3A_121 : memref<1000x128xf32, #tpu.memory_space<hbm>>) dst(%arg11 : memref<128x128xf32, #tpu.memory_space<vmem>>)
    %dma_start3A_122 = arith.constant 0 : i32
    %dma_start3A_123 = tpu.memref_slice %arg8[%add3A_12, %dma_start3A_122] : memref<16384x128xf32, #tpu.memory_space<hbm>> -> memref<128x128xf32, #tpu.memory_space<hbm>>
    %dma_start3A_124 = arith.constant 0 : i32
    %dma_start3A_125 = tpu.memref_slice %arg8[%add3A_12, %dma_start3A_124] : memref<16384x128xf32, #tpu.memory_space<hbm>> -> memref<128x128xf32, #tpu.memory_space<hbm>>
    tpu.enqueue_dma source(%arg11 : memref<128x128xf32, #tpu.memory_space<vmem>>) target(%dma_start3A_125 : memref<128x128xf32, #tpu.memory_space<hbm>>) target_semaphore(%arg19 : memref<!tpu.dma_semaphore, #tpu.memory_space<semaphore_mem>>)
    %dma_wait3A_126 = arith.constant 0 : i32
    %dma_wait3A_127 = tpu.memref_slice %arg8[%add3A_12, %dma_wait3A_126] : memref<16384x128xf32, #tpu.memory_space<hbm>> -> memref<128x128xf32, #tpu.memory_space<hbm>>
    %dma_wait3A_128 = arith.constant 0 : i32
    %dma_wait3A_129 = tpu.memref_slice %arg8[%add3A_12, %dma_wait3A_128] : memref<16384x128xf32, #tpu.memory_space<hbm>> -> memref<128x128xf32, #tpu.memory_space<hbm>>
    tpu.wait_dma2 semaphore(%arg19 : memref<!tpu.dma_semaphore, #tpu.memory_space<semaphore_mem>>) src(%arg11 : memref<128x128xf32, #tpu.memory_space<vmem>>) dst(%dma_wait3A_129 : memref<128x128xf32, #tpu.memory_space<hbm>>)
    %dma_start3A_130 = arith.constant 1024 : i32
    %dma_start3A_131 = tpu.memref_slice %arg10[%dma_start3A_130] : memref<1536xi32, #tpu.memory_space<vmem>> -> memref<128xi32, #tpu.memory_space<vmem>>
    %dma_start3A_132 = arith.constant 0 : i32
    %dma_start3A_133 = arith.constant 0 : i32
    %dma_start3A_134 = tpu.memref_slice %arg5[%dma_start3A_132, %dma_start3A_133] : memref<100000x128xf32, #tpu.memory_space<hbm>> -> memref<100000x128xf32, #tpu.memory_space<hbm>>
    tpu.enqueue_indirect_dma source(%dma_start3A_134 : memref<100000x128xf32, #tpu.memory_space<hbm>>) target(%arg11 : memref<128x128xf32, #tpu.memory_space<vmem>>) offsets(%dma_start3A_131 : memref<128xi32, #tpu.memory_space<vmem>>) semaphore(%arg15 : memref<!tpu.dma_semaphore, #tpu.memory_space<semaphore_mem>>)
    %dma_wait3A_135 = arith.constant 640 : i32
    %dma_wait3A_136 = tpu.memref_slice %arg10[%dma_wait3A_135] : memref<1536xi32, #tpu.memory_space<vmem>> -> memref<128xi32, #tpu.memory_space<vmem>>
    %dma_wait3A_137 = arith.constant 0 : i32
    %dma_wait3A_138 = arith.constant 0 : i32
    %dma_wait3A_139 = tpu.memref_slice %arg6[%dma_wait3A_137, %dma_wait3A_138] : memref<1000x128xf32, #tpu.memory_space<hbm>> -> memref<1000x128xf32, #tpu.memory_space<hbm>>
    tpu.wait_indirect_dma semaphore(%arg16 : memref<!tpu.dma_semaphore, #tpu.memory_space<semaphore_mem>>) src(%dma_wait3A_139 : memref<1000x128xf32, #tpu.memory_space<hbm>>) dst(%arg12 : memref<128x128xf32, #tpu.memory_space<vmem>>)
    %dma_start3A_140 = arith.constant 0 : i32
    %dma_start3A_141 = tpu.memref_slice %arg8[%add3A_14, %dma_start3A_140] : memref<16384x128xf32, #tpu.memory_space<hbm>> -> memref<128x128xf32, #tpu.memory_space<hbm>>
    %dma_start3A_142 = arith.constant 0 : i32
    %dma_start3A_143 = tpu.memref_slice %arg8[%add3A_14, %dma_start3A_142] : memref<16384x128xf32, #tpu.memory_space<hbm>> -> memref<128x128xf32, #tpu.memory_space<hbm>>
    tpu.enqueue_dma source(%arg12 : memref<128x128xf32, #tpu.memory_space<vmem>>) target(%dma_start3A_143 : memref<128x128xf32, #tpu.memory_space<hbm>>) target_semaphore(%arg20 : memref<!tpu.dma_semaphore, #tpu.memory_space<semaphore_mem>>)
    %dma_wait3A_144 = arith.constant 0 : i32
    %dma_wait3A_145 = tpu.memref_slice %arg8[%add3A_14, %dma_wait3A_144] : memref<16384x128xf32, #tpu.memory_space<hbm>> -> memref<128x128xf32, #tpu.memory_space<hbm>>
    %dma_wait3A_146 = arith.constant 0 : i32
    %dma_wait3A_147 = tpu.memref_slice %arg8[%add3A_14, %dma_wait3A_146] : memref<16384x128xf32, #tpu.memory_space<hbm>> -> memref<128x128xf32, #tpu.memory_space<hbm>>
    tpu.wait_dma2 semaphore(%arg20 : memref<!tpu.dma_semaphore, #tpu.memory_space<semaphore_mem>>) src(%arg12 : memref<128x128xf32, #tpu.memory_space<vmem>>) dst(%dma_wait3A_147 : memref<128x128xf32, #tpu.memory_space<hbm>>)
    %dma_start3A_148 = arith.constant 1152 : i32
    %dma_start3A_149 = tpu.memref_slice %arg10[%dma_start3A_148] : memref<1536xi32, #tpu.memory_space<vmem>> -> memref<128xi32, #tpu.memory_space<vmem>>
    %dma_start3A_150 = arith.constant 0 : i32
    %dma_start3A_151 = arith.constant 0 : i32
    %dma_start3A_152 = tpu.memref_slice %arg5[%dma_start3A_150, %dma_start3A_151] : memref<100000x128xf32, #tpu.memory_space<hbm>> -> memref<100000x128xf32, #tpu.memory_space<hbm>>
    tpu.enqueue_indirect_dma source(%dma_start3A_152 : memref<100000x128xf32, #tpu.memory_space<hbm>>) target(%arg12 : memref<128x128xf32, #tpu.memory_space<vmem>>) offsets(%dma_start3A_149 : memref<128xi32, #tpu.memory_space<vmem>>) semaphore(%arg16 : memref<!tpu.dma_semaphore, #tpu.memory_space<semaphore_mem>>)
    %dma_wait3A_153 = arith.constant 768 : i32
    %dma_wait3A_154 = tpu.memref_slice %arg10[%dma_wait3A_153] : memref<1536xi32, #tpu.memory_space<vmem>> -> memref<128xi32, #tpu.memory_space<vmem>>
    %dma_wait3A_155 = arith.constant 0 : i32
    %dma_wait3A_156 = arith.constant 0 : i32
    %dma_wait3A_157 = tpu.memref_slice %arg6[%dma_wait3A_155, %dma_wait3A_156] : memref<1000x128xf32, #tpu.memory_space<hbm>> -> memref<1000x128xf32, #tpu.memory_space<hbm>>
    tpu.wait_indirect_dma semaphore(%arg17 : memref<!tpu.dma_semaphore, #tpu.memory_space<semaphore_mem>>) src(%dma_wait3A_157 : memref<1000x128xf32, #tpu.memory_space<hbm>>) dst(%arg13 : memref<128x128xf32, #tpu.memory_space<vmem>>)
    %dma_start3A_158 = arith.constant 0 : i32
    %dma_start3A_159 = tpu.memref_slice %arg8[%add3A_16, %dma_start3A_158] : memref<16384x128xf32, #tpu.memory_space<hbm>> -> memref<128x128xf32, #tpu.memory_space<hbm>>
    %dma_start3A_160 = arith.constant 0 : i32
    %dma_start3A_161 = tpu.memref_slice %arg8[%add3A_16, %dma_start3A_160] : memref<16384x128xf32, #tpu.memory_space<hbm>> -> memref<128x128xf32, #tpu.memory_space<hbm>>
    tpu.enqueue_dma source(%arg13 : memref<128x128xf32, #tpu.memory_space<vmem>>) target(%dma_start3A_161 : memref<128x128xf32, #tpu.memory_space<hbm>>) target_semaphore(%arg21 : memref<!tpu.dma_semaphore, #tpu.memory_space<semaphore_mem>>)
    %dma_wait3A_162 = arith.constant 0 : i32
    %dma_wait3A_163 = tpu.memref_slice %arg8[%add3A_16, %dma_wait3A_162] : memref<16384x128xf32, #tpu.memory_space<hbm>> -> memref<128x128xf32, #tpu.memory_space<hbm>>
    %dma_wait3A_164 = arith.constant 0 : i32
    %dma_wait3A_165 = tpu.memref_slice %arg8[%add3A_16, %dma_wait3A_164] : memref<16384x128xf32, #tpu.memory_space<hbm>> -> memref<128x128xf32, #tpu.memory_space<hbm>>
    tpu.wait_dma2 semaphore(%arg21 : memref<!tpu.dma_semaphore, #tpu.memory_space<semaphore_mem>>) src(%arg13 : memref<128x128xf32, #tpu.memory_space<vmem>>) dst(%dma_wait3A_165 : memref<128x128xf32, #tpu.memory_space<hbm>>)
    %dma_start3A_166 = arith.constant 1280 : i32
    %dma_start3A_167 = tpu.memref_slice %arg10[%dma_start3A_166] : memref<1536xi32, #tpu.memory_space<vmem>> -> memref<128xi32, #tpu.memory_space<vmem>>
    %dma_start3A_168 = arith.constant 0 : i32
    %dma_start3A_169 = arith.constant 0 : i32
    %dma_start3A_170 = tpu.memref_slice %arg5[%dma_start3A_168, %dma_start3A_169] : memref<100000x128xf32, #tpu.memory_space<hbm>> -> memref<100000x128xf32, #tpu.memory_space<hbm>>
    tpu.enqueue_indirect_dma source(%dma_start3A_170 : memref<100000x128xf32, #tpu.memory_space<hbm>>) target(%arg13 : memref<128x128xf32, #tpu.memory_space<vmem>>) offsets(%dma_start3A_167 : memref<128xi32, #tpu.memory_space<vmem>>) semaphore(%arg17 : memref<!tpu.dma_semaphore, #tpu.memory_space<semaphore_mem>>)
    %dma_wait3A_171 = arith.constant 896 : i32
    %dma_wait3A_172 = tpu.memref_slice %arg10[%dma_wait3A_171] : memref<1536xi32, #tpu.memory_space<vmem>> -> memref<128xi32, #tpu.memory_space<vmem>>
    %dma_wait3A_173 = arith.constant 0 : i32
    %dma_wait3A_174 = arith.constant 0 : i32
    %dma_wait3A_175 = tpu.memref_slice %arg6[%dma_wait3A_173, %dma_wait3A_174] : memref<1000x128xf32, #tpu.memory_space<hbm>> -> memref<1000x128xf32, #tpu.memory_space<hbm>>
    tpu.wait_indirect_dma semaphore(%arg18 : memref<!tpu.dma_semaphore, #tpu.memory_space<semaphore_mem>>) src(%dma_wait3A_175 : memref<1000x128xf32, #tpu.memory_space<hbm>>) dst(%arg14 : memref<128x128xf32, #tpu.memory_space<vmem>>)
    %dma_start3A_176 = arith.constant 0 : i32
    %dma_start3A_177 = tpu.memref_slice %arg8[%add3A_18, %dma_start3A_176] : memref<16384x128xf32, #tpu.memory_space<hbm>> -> memref<128x128xf32, #tpu.memory_space<hbm>>
    %dma_start3A_178 = arith.constant 0 : i32
    %dma_start3A_179 = tpu.memref_slice %arg8[%add3A_18, %dma_start3A_178] : memref<16384x128xf32, #tpu.memory_space<hbm>> -> memref<128x128xf32, #tpu.memory_space<hbm>>
    tpu.enqueue_dma source(%arg14 : memref<128x128xf32, #tpu.memory_space<vmem>>) target(%dma_start3A_179 : memref<128x128xf32, #tpu.memory_space<hbm>>) target_semaphore(%arg22 : memref<!tpu.dma_semaphore, #tpu.memory_space<semaphore_mem>>)
    %dma_wait3A_180 = arith.constant 0 : i32
    %dma_wait3A_181 = tpu.memref_slice %arg8[%add3A_18, %dma_wait3A_180] : memref<16384x128xf32, #tpu.memory_space<hbm>> -> memref<128x128xf32, #tpu.memory_space<hbm>>
    %dma_wait3A_182 = arith.constant 0 : i32
    %dma_wait3A_183 = tpu.memref_slice %arg8[%add3A_18, %dma_wait3A_182] : memref<16384x128xf32, #tpu.memory_space<hbm>> -> memref<128x128xf32, #tpu.memory_space<hbm>>
    tpu.wait_dma2 semaphore(%arg22 : memref<!tpu.dma_semaphore, #tpu.memory_space<semaphore_mem>>) src(%arg14 : memref<128x128xf32, #tpu.memory_space<vmem>>) dst(%dma_wait3A_183 : memref<128x128xf32, #tpu.memory_space<hbm>>)
    %dma_start3A_184 = arith.constant 1408 : i32
    %dma_start3A_185 = tpu.memref_slice %arg10[%dma_start3A_184] : memref<1536xi32, #tpu.memory_space<vmem>> -> memref<128xi32, #tpu.memory_space<vmem>>
    %dma_start3A_186 = arith.constant 0 : i32
    %dma_start3A_187 = arith.constant 0 : i32
    %dma_start3A_188 = tpu.memref_slice %arg5[%dma_start3A_186, %dma_start3A_187] : memref<100000x128xf32, #tpu.memory_space<hbm>> -> memref<100000x128xf32, #tpu.memory_space<hbm>>
    tpu.enqueue_indirect_dma source(%dma_start3A_188 : memref<100000x128xf32, #tpu.memory_space<hbm>>) target(%arg14 : memref<128x128xf32, #tpu.memory_space<vmem>>) offsets(%dma_start3A_185 : memref<128xi32, #tpu.memory_space<vmem>>) semaphore(%arg18 : memref<!tpu.dma_semaphore, #tpu.memory_space<semaphore_mem>>)
    %dma_wait3A_189 = arith.constant 1024 : i32
    %dma_wait3A_190 = tpu.memref_slice %arg10[%dma_wait3A_189] : memref<1536xi32, #tpu.memory_space<vmem>> -> memref<128xi32, #tpu.memory_space<vmem>>
    %dma_wait3A_191 = arith.constant 0 : i32
    %dma_wait3A_192 = arith.constant 0 : i32
    %dma_wait3A_193 = tpu.memref_slice %arg5[%dma_wait3A_191, %dma_wait3A_192] : memref<100000x128xf32, #tpu.memory_space<hbm>> -> memref<100000x128xf32, #tpu.memory_space<hbm>>
    tpu.wait_indirect_dma semaphore(%arg15 : memref<!tpu.dma_semaphore, #tpu.memory_space<semaphore_mem>>) src(%dma_wait3A_193 : memref<100000x128xf32, #tpu.memory_space<hbm>>) dst(%arg11 : memref<128x128xf32, #tpu.memory_space<vmem>>)
    %dma_start3A_194 = arith.constant 0 : i32
    %dma_start3A_195 = tpu.memref_slice %arg9[%add3A_20, %dma_start3A_194] : memref<16384x128xf32, #tpu.memory_space<hbm>> -> memref<128x128xf32, #tpu.memory_space<hbm>>
    %dma_start3A_196 = arith.constant 0 : i32
    %dma_start3A_197 = tpu.memref_slice %arg9[%add3A_20, %dma_start3A_196] : memref<16384x128xf32, #tpu.memory_space<hbm>> -> memref<128x128xf32, #tpu.memory_space<hbm>>
    tpu.enqueue_dma source(%arg11 : memref<128x128xf32, #tpu.memory_space<vmem>>) target(%dma_start3A_197 : memref<128x128xf32, #tpu.memory_space<hbm>>) target_semaphore(%arg19 : memref<!tpu.dma_semaphore, #tpu.memory_space<semaphore_mem>>)
    %dma_wait3A_198 = arith.constant 0 : i32
    %dma_wait3A_199 = tpu.memref_slice %arg9[%add3A_20, %dma_wait3A_198] : memref<16384x128xf32, #tpu.memory_space<hbm>> -> memref<128x128xf32, #tpu.memory_space<hbm>>
    %dma_wait3A_200 = arith.constant 0 : i32
    %dma_wait3A_201 = tpu.memref_slice %arg9[%add3A_20, %dma_wait3A_200] : memref<16384x128xf32, #tpu.memory_space<hbm>> -> memref<128x128xf32, #tpu.memory_space<hbm>>
    tpu.wait_dma2 semaphore(%arg19 : memref<!tpu.dma_semaphore, #tpu.memory_space<semaphore_mem>>) src(%arg11 : memref<128x128xf32, #tpu.memory_space<vmem>>) dst(%dma_wait3A_201 : memref<128x128xf32, #tpu.memory_space<hbm>>)
    %dma_wait3A_202 = arith.constant 1152 : i32
    %dma_wait3A_203 = tpu.memref_slice %arg10[%dma_wait3A_202] : memref<1536xi32, #tpu.memory_space<vmem>> -> memref<128xi32, #tpu.memory_space<vmem>>
    %dma_wait3A_204 = arith.constant 0 : i32
    %dma_wait3A_205 = arith.constant 0 : i32
    %dma_wait3A_206 = tpu.memref_slice %arg5[%dma_wait3A_204, %dma_wait3A_205] : memref<100000x128xf32, #tpu.memory_space<hbm>> -> memref<100000x128xf32, #tpu.memory_space<hbm>>
    tpu.wait_indirect_dma semaphore(%arg16 : memref<!tpu.dma_semaphore, #tpu.memory_space<semaphore_mem>>) src(%dma_wait3A_206 : memref<100000x128xf32, #tpu.memory_space<hbm>>) dst(%arg12 : memref<128x128xf32, #tpu.memory_space<vmem>>)
    %dma_start3A_207 = arith.constant 0 : i32
    %dma_start3A_208 = tpu.memref_slice %arg9[%add3A_22, %dma_start3A_207] : memref<16384x128xf32, #tpu.memory_space<hbm>> -> memref<128x128xf32, #tpu.memory_space<hbm>>
    %dma_start3A_209 = arith.constant 0 : i32
    %dma_start3A_210 = tpu.memref_slice %arg9[%add3A_22, %dma_start3A_209] : memref<16384x128xf32, #tpu.memory_space<hbm>> -> memref<128x128xf32, #tpu.memory_space<hbm>>
    tpu.enqueue_dma source(%arg12 : memref<128x128xf32, #tpu.memory_space<vmem>>) target(%dma_start3A_210 : memref<128x128xf32, #tpu.memory_space<hbm>>) target_semaphore(%arg20 : memref<!tpu.dma_semaphore, #tpu.memory_space<semaphore_mem>>)
    %dma_wait3A_211 = arith.constant 0 : i32
    %dma_wait3A_212 = tpu.memref_slice %arg9[%add3A_22, %dma_wait3A_211] : memref<16384x128xf32, #tpu.memory_space<hbm>> -> memref<128x128xf32, #tpu.memory_space<hbm>>
    %dma_wait3A_213 = arith.constant 0 : i32
    %dma_wait3A_214 = tpu.memref_slice %arg9[%add3A_22, %dma_wait3A_213] : memref<16384x128xf32, #tpu.memory_space<hbm>> -> memref<128x128xf32, #tpu.memory_space<hbm>>
    tpu.wait_dma2 semaphore(%arg20 : memref<!tpu.dma_semaphore, #tpu.memory_space<semaphore_mem>>) src(%arg12 : memref<128x128xf32, #tpu.memory_space<vmem>>) dst(%dma_wait3A_214 : memref<128x128xf32, #tpu.memory_space<hbm>>)
    %dma_wait3A_215 = arith.constant 1280 : i32
    %dma_wait3A_216 = tpu.memref_slice %arg10[%dma_wait3A_215] : memref<1536xi32, #tpu.memory_space<vmem>> -> memref<128xi32, #tpu.memory_space<vmem>>
    %dma_wait3A_217 = arith.constant 0 : i32
    %dma_wait3A_218 = arith.constant 0 : i32
    %dma_wait3A_219 = tpu.memref_slice %arg5[%dma_wait3A_217, %dma_wait3A_218] : memref<100000x128xf32, #tpu.memory_space<hbm>> -> memref<100000x128xf32, #tpu.memory_space<hbm>>
    tpu.wait_indirect_dma semaphore(%arg17 : memref<!tpu.dma_semaphore, #tpu.memory_space<semaphore_mem>>) src(%dma_wait3A_219 : memref<100000x128xf32, #tpu.memory_space<hbm>>) dst(%arg13 : memref<128x128xf32, #tpu.memory_space<vmem>>)
    %dma_start3A_220 = arith.constant 0 : i32
    %dma_start3A_221 = tpu.memref_slice %arg9[%add3A_24, %dma_start3A_220] : memref<16384x128xf32, #tpu.memory_space<hbm>> -> memref<128x128xf32, #tpu.memory_space<hbm>>
    %dma_start3A_222 = arith.constant 0 : i32
    %dma_start3A_223 = tpu.memref_slice %arg9[%add3A_24, %dma_start3A_222] : memref<16384x128xf32, #tpu.memory_space<hbm>> -> memref<128x128xf32, #tpu.memory_space<hbm>>
    tpu.enqueue_dma source(%arg13 : memref<128x128xf32, #tpu.memory_space<vmem>>) target(%dma_start3A_223 : memref<128x128xf32, #tpu.memory_space<hbm>>) target_semaphore(%arg21 : memref<!tpu.dma_semaphore, #tpu.memory_space<semaphore_mem>>)
    %dma_wait3A_224 = arith.constant 0 : i32
    %dma_wait3A_225 = tpu.memref_slice %arg9[%add3A_24, %dma_wait3A_224] : memref<16384x128xf32, #tpu.memory_space<hbm>> -> memref<128x128xf32, #tpu.memory_space<hbm>>
    %dma_wait3A_226 = arith.constant 0 : i32
    %dma_wait3A_227 = tpu.memref_slice %arg9[%add3A_24, %dma_wait3A_226] : memref<16384x128xf32, #tpu.memory_space<hbm>> -> memref<128x128xf32, #tpu.memory_space<hbm>>
    tpu.wait_dma2 semaphore(%arg21 : memref<!tpu.dma_semaphore, #tpu.memory_space<semaphore_mem>>) src(%arg13 : memref<128x128xf32, #tpu.memory_space<vmem>>) dst(%dma_wait3A_227 : memref<128x128xf32, #tpu.memory_space<hbm>>)
    %dma_wait3A_228 = arith.constant 1408 : i32
    %dma_wait3A_229 = tpu.memref_slice %arg10[%dma_wait3A_228] : memref<1536xi32, #tpu.memory_space<vmem>> -> memref<128xi32, #tpu.memory_space<vmem>>
    %dma_wait3A_230 = arith.constant 0 : i32
    %dma_wait3A_231 = arith.constant 0 : i32
    %dma_wait3A_232 = tpu.memref_slice %arg5[%dma_wait3A_230, %dma_wait3A_231] : memref<100000x128xf32, #tpu.memory_space<hbm>> -> memref<100000x128xf32, #tpu.memory_space<hbm>>
    tpu.wait_indirect_dma semaphore(%arg18 : memref<!tpu.dma_semaphore, #tpu.memory_space<semaphore_mem>>) src(%dma_wait3A_232 : memref<100000x128xf32, #tpu.memory_space<hbm>>) dst(%arg14 : memref<128x128xf32, #tpu.memory_space<vmem>>)
    %dma_start3A_233 = arith.constant 0 : i32
    %dma_start3A_234 = tpu.memref_slice %arg9[%add3A_26, %dma_start3A_233] : memref<16384x128xf32, #tpu.memory_space<hbm>> -> memref<128x128xf32, #tpu.memory_space<hbm>>
    %dma_start3A_235 = arith.constant 0 : i32
    %dma_start3A_236 = tpu.memref_slice %arg9[%add3A_26, %dma_start3A_235] : memref<16384x128xf32, #tpu.memory_space<hbm>> -> memref<128x128xf32, #tpu.memory_space<hbm>>
    tpu.enqueue_dma source(%arg14 : memref<128x128xf32, #tpu.memory_space<vmem>>) target(%dma_start3A_236 : memref<128x128xf32, #tpu.memory_space<hbm>>) target_semaphore(%arg22 : memref<!tpu.dma_semaphore, #tpu.memory_space<semaphore_mem>>)
    %dma_wait3A_237 = arith.constant 0 : i32
    %dma_wait3A_238 = tpu.memref_slice %arg9[%add3A_26, %dma_wait3A_237] : memref<16384x128xf32, #tpu.memory_space<hbm>> -> memref<128x128xf32, #tpu.memory_space<hbm>>
    %dma_wait3A_239 = arith.constant 0 : i32
    %dma_wait3A_240 = tpu.memref_slice %arg9[%add3A_26, %dma_wait3A_239] : memref<16384x128xf32, #tpu.memory_space<hbm>> -> memref<128x128xf32, #tpu.memory_space<hbm>>
    tpu.wait_dma2 semaphore(%arg22 : memref<!tpu.dma_semaphore, #tpu.memory_space<semaphore_mem>>) src(%arg14 : memref<128x128xf32, #tpu.memory_space<vmem>>) dst(%dma_wait3A_240 : memref<128x128xf32, #tpu.memory_space<hbm>>)
    return
  }
}

</mosaic_0001>

<sc_bundles>
// kernel: kernel.3.cloned.1.call-start
scs
__scs_entry_jumppad:
0x0: {  	(pc) =	sbr.rel $0x88, $3  }
0x1: {  	(tag) =	ssettag $0x0;
	lr =	simm.s32 $0x1  }
0x2: {  	[smem:$0x3F9C] =	sst lr;
	_ =	strace $0xD0000000  }
0x3: {  	_ = 	snop  }
0x4: {  	_ = 	snop  }
0x5: {  	_ = 	snop  }
0x6: {  	_ = 	snop  }
0x7: {  	_ = 	snop  }
__scs_overlays_trampoline_lowered:
0x8: {  	[smem:$0x3FAB] =	sst s0  }
0x9: {  	[smem:$0x3FAC] =	sst s1  }
0xa: {  	[smem:$0x3FAD] =	sst s2  }
0xb: {  	[smem:$0x3FAE] =	sst s3  }
0xc: {  	[smem:$0x3FAF] =	sst s4  }
0xd: {  	[smem:$0x3FB0] =	sst s5  }
0xe: {  	[smem:$0x3FB1] =	sst s6  }
0xf: {  	[smem:$0x3FB2] =	sst s7  }
0x10: {  	[smem:$0x3FB3] =	sst s8  }
0x11: {  	[smem:$0x3FB4] =	sst s9;
	s0 =	simm.s32 @!p0 $0x0  }
0x12: {  	s1 =	sld [smem:$0x3F9A];
	s0 =	simm.s32 @p0 $0x1  }
0x13: {  	[smem:$0x3FB5] =	sst s0;
	s0 =	simm.s32 @!p1 $0x0  }
0x14: {  	s2 =	sld [smem:$0x3F99];
	s0 =	simm.s32 @p1 $0x1  }
0x15: {  	[smem:$0x3FB6] =	sst s0;
	s0 =	simm.s32 @!p2 $0x0  }
0x16: {  	s3 =	sld [smem:$0x3FDB];
	s0 =	simm.s32 @p2 $0x1  }
0x17: {  	s4 =	simm.s32 $0x1BF5;
	[smem:$0x3FB8] =	sst s0  }
0x18: {  	s0 =	sld [smem:$0x3F9B];
	_ =	swait.ge [sflag:s4], $0x0  }
0x19: {  	s7 =	sld [smem:$0x3F9C]  }
0x1a: {  	s8 =	sadd.s32 $0xFFFFE003, lr  }
0x1b: {  	s9 =	sadd.s32 $0xFFFFFEF7, lr;
	s5 =	simm.s32 $0xFFFFFFFF;
	p2 =	slt.u32 s8, $0xFFFFF086  }
0x1c: {  	p1 =	slt.u32 s9, $0xF7A;
	s5 =	simm.s32 @!p2 $0x0  }
0x1d: {  	s5 =	simm.s32 @p1 $0x1;
	p0 =	seq.s32 s7, s2  }
0x1e: {  	s7 =	smul.u32 @!p0 $0xF7A, s2;
	p2 =	seq.s32 @!p0 s5, $0x0  }
0x1f: {  	s9 =	smul.u32 $0xF7A, s1;
	s8 =	simm.s32 @!p0 $0x1BF5;
	p2 =	por !p2, p0  }
0x20: {  	[sflag:s8] =	ssyncset.s32 @!p0 $0xFFFFF086;
	s6 =	sadd.s32 @!p0 s3, s7;
	s7 =	simm.s32 @!p0 $0x108  }
0x21: {  	s3 =	sadd.s32 s3, s9;
	s6 =	sadd.s32 @!p0 $0x88, s6;
	s7 =	simm.s32 @p2 $0x1082  }
0x22: {  	[simem:s7], [sflag:s8] =	dma.local @!p0 [hbm:s6], $0xF7A  }
0x23: {  	s9 =	sor.u32 $0xD0000000, s2;
	s6 =	simm.s32 $0x108;
	_ =	swait.ge @!p0 [sflag:s8], $0x0  }
0x24: {  	s3 =	sadd.s32 $0x88, s3;
	s6 =	simm.s32 @!p1 $0x1082;
	[sflag:s4] =	ssyncset.s32 $0xFFFFF086  }
0x25: {  	[simem:s6], [sflag:s4] =	dma.local [hbm:s3], $0xF7A  }
0x26: {  	[smem:$0x3F9C] =	sst s1;
	(tag) =	ssettag s2;
	_ =	strace s9  }
0x27: {  	s1 =	sld [smem:$0x3FAC]  }
0x28: {  	s2 =	sld [smem:$0x3FAD]  }
0x29: {  	s4 =	sld [smem:$0x3FAF]  }
0x2a: {  	p0 =	seq.s32 s5, $0x0;
	s5 =	sld [smem:$0x3FB0]  }
0x2b: {  	s6 =	sld [smem:$0x3FB1]  }
0x2c: {  	s7 =	sld [smem:$0x3FB2]  }
0x2d: {  	s3 =	simm.s32 $0x108;
	s8 =	sld [smem:$0x3FB3]  }
0x2e: {  	s3 =	simm.s32 @!p0 $0x1082;
	s9 =	sld [smem:$0x3FB4]  }
0x2f: {  	lr =	sadd.s32 s0, s3;
	s0 =	sld [smem:$0x3FAB]  }
0x30: {  	s3 =	sld [smem:$0x3FAE]  }
0x31: {  	[smem:$0x3FB7] =	sst s10  }
0x32: {  	s10 =	sld [smem:$0x3FB5];
	_ =	sdelay $0x3  }
0x33: {  	p0 =	seq.s32 s10, $0x1;
	s10 =	sld [smem:$0x3FB7];
	_ =	sdelay $0x3  }
0x34: {  	[smem:$0x3FB7] =	sst s10  }
0x35: {  	s10 =	sld [smem:$0x3FB6];
	_ =	sdelay $0x3  }
0x36: {  	p1 =	seq.s32 s10, $0x1;
	s10 =	sld [smem:$0x3FB7];
	_ =	sdelay $0x3  }
0x37: {  	[smem:$0x3FB7] =	sst s10  }
0x38: {  	s10 =	sld [smem:$0x3FB8]  }
0x39: {  	_ = 	snop;
	(pc) =	sbr.ind lr, $3  }
0x3a: {  	_ = 	snop  }
0x3b: {  	_ = 	snop  }
0x3c: {  	p2 =	seq.s32 s10, $0x1;
	s10 =	sld [smem:$0x3FB7]  }
0x3d: {  	_ =	shalt  }
0x3e: {  	_ =	shalt  }
0x3f: {  	_ =	shalt  }
0x40: {  	_ =	shalt  }
0x41: {  	_ =	shalt  }
0x42: {  	_ =	shalt  }
0x43: {  	_ =	shalt  }
0x44: {  	_ =	shalt  }
0x45: {  	_ =	shalt  }
0x46: {  	_ =	shalt  }
0x47: {  	_ =	shalt  }
0x48: {  	_ =	shalt  }
0x49: {  	_ =	shalt  }
0x4a: {  	_ =	shalt  }
0x4b: {  	_ =	shalt  }
0x4c: {  	_ =	shalt  }
0x4d: {  	_ =	shalt  }
0x4e: {  	_ =	shalt  }
0x4f: {  	_ =	shalt  }
0x50: {  	_ =	shalt  }
0x51: {  	_ =	shalt  }
0x52: {  	_ =	shalt  }
0x53: {  	_ =	shalt  }
0x54: {  	_ =	shalt  }
0x55: {  	_ =	shalt  }
0x56: {  	_ =	shalt  }
0x57: {  	_ =	shalt  }
0x58: {  	_ =	shalt  }
0x59: {  	_ =	shalt  }
0x5a: {  	_ =	shalt  }
0x5b: {  	_ =	shalt  }
0x5c: {  	_ =	shalt  }
0x5d: {  	_ =	shalt  }
0x5e: {  	_ =	shalt  }
0x5f: {  	_ =	shalt  }
0x60: {  	_ =	shalt  }
0x61: {  	_ =	shalt  }
0x62: {  	_ =	shalt  }
0x63: {  	_ =	shalt  }
0x64: {  	_ =	shalt  }
0x65: {  	_ =	shalt  }
0x66: {  	_ =	shalt  }
0x67: {  	_ =	shalt  }
0x68: {  	_ =	shalt  }
0x69: {  	_ =	shalt  }
0x6a: {  	_ =	shalt  }
0x6b: {  	_ =	shalt  }
0x6c: {  	_ =	shalt  }
0x6d: {  	_ =	shalt  }
0x6e: {  	_ =	shalt  }
0x6f: {  	_ =	shalt  }
0x70: {  	_ =	shalt  }
0x71: {  	_ =	shalt  }
0x72: {  	_ =	shalt  }
0x73: {  	_ =	shalt  }
0x74: {  	_ =	shalt  }
0x75: {  	_ =	shalt  }
0x76: {  	_ =	shalt  }
0x77: {  	_ =	shalt  }
0x78: {  	_ =	shalt  }
0x79: {  	_ =	shalt  }
0x7a: {  	_ =	shalt  }
0x7b: {  	_ =	shalt  }
0x7c: {  	_ =	shalt  }
0x7d: {  	_ =	shalt  }
0x7e: {  	_ =	shalt  }
0x7f: {  	_ =	shalt  }
0x80: {  	_ =	shalt  }
0x81: {  	_ =	shalt  }
0x82: {  	_ =	shalt  }
0x83: {  	_ =	shalt  }
0x84: {  	_ =	shalt  }
0x85: {  	_ =	shalt  }
0x86: {  	_ =	shalt  }
0x87: {  	_ =	shalt  }
.Lfunc_end0:
.L_simem_size_0:
called_computation_lowered:
.L_overlay_start_0:
0x88: {  	s2 =	sld [smem:$0x3FD9]  }
0x89: {  	s3 =	sld [smem:$0x3FFE];
	_ =	sdelay $0x1  }
0x8a: {  	s1 =	srdreg.scid  }
0x8b: {  	s0 =	sand.u32 $0x1, s1  }
0x8c: {  	s15 =	sshll.u32 s0, $0xA;
	s2 =	sadd.s32 s3, s2  }
0x8d: {  	s2 =	sadd.s32 s2, s15  }
0x8e: {  	[smem:$0x3FC3] =	sst s2  }
0x8f: {  	_ = 	snop  }
0x90: {  	s2 =	sld [smem:$0x3FC9]  }
0x91: {  	s16 =	sld [smem:$0x3FC8]  }
0x92: {  	s4 =	sld [smem:$0x3FD0]  }
0x93: {  	s5 =	sld [smem:$0x3FC7]  }
0x94: {  	s6 =	sld [smem:$0x3FC6]  }
0x95: {  	s8 =	simm.s32 $0xA;
	s9 =	simm.s32 $0x10;
	s7 =	sld [smem:$0x3FC5]  }
0x96: {  	[smem:s9], [sflag:s8] =	dma.local [hbm:s4], $0x1  }
0x97: {  	_ =	swait.eq [sflag:s8], $0x1  }
0x98: {  	s17 =	sld [smem:$0x10];
	[sflag:s8] =	ssyncset.done $0x0  }
0x99: {  	s18 =	sld [smem:$0x11];
	[sflag:s8] =	ssyncadd.s32 $0xFFFFFFFF  }
0x9a: {  	s19 =	sld [smem:$0x12];
	(tm) =	ssettm $0x1  }
0x9b: {  	s10 =	sld [smem:$0x3FFB];
	_ =	sdelay $0x3  }
0x9c: {  	_ =	strace s10  }
0x9d: {  	s10 =	sld [smem:$0x3FFC];
	_ =	sdelay $0x3  }
0x9e: {  	_ =	strace s10  }
0x9f: {  	s10 =	sld [smem:$0x3FFD];
	_ =	sdelay $0x3  }
0xa0: {  	_ =	strace s10  }
0xa1: {  	_ =	strace $0x8FFFFFFF  }
0xa2: {  	s20 =	sld [smem:$0x3FDB];
	_ =	sdelay $0x1  }
0xa3: {  	s11 =	simm.s32 $_scs_section_size  }
0xa4: {  	s12 =	simm.s32 $_size__tile_overlayer_lowered;
	s13 =	simm.s32 $_tile_overlayer_lowered  }
0xa5: {  	s23 =	simm.s32 $0x1BFF;
	s22 =	sshll.u32 s13, $0x1;
	s10 =	sadd.s32 s11, s20  }
0xa6: {  	s14 =	simm.s32 $0x0;
	s21 =	sshll.u32 s12, $0x1;
	s12 =	sadd.s32 s22, s10  }
0xa7: {  	[timem:s14], [sflag:s23] =	dma.local [hbm:s12], s21  }
0xa8: {  	_ =	swait.ge [sflag:s23], s21  }
0xa9: {  	s11 =	ssub.s32 $0x0, s21;
	[sflag:s23] =	ssyncset.done $0x0  }
0xaa: {  	[sflag:s23] =	ssyncadd.s32 s11;
	_ =	sdelay $0x1  }
0xab: {  	s24 =	simm.s32 $0x1B8B  }
0xac: {  	_ =	swait.ge [sflag:s24], $0x1  }
0xad: {  	[sflag:s24] =	ssyncset.done $0x0  }
0xae: {  	s25 =	simm.s32 $0x1B8E;
	[sflag:s24] =	ssyncadd.s32 $0xFFFFFFFF  }
0xaf: {  	s26 =	simm.s32 $execute0_lowered;
	[smem:$0x3FD2] =	sst s25  }
0xb0: {  	s11 =	sshll.u32 s26, $0x1;
	_ =	strace $0x80000046;
	[dreg:$0x1] =	wrdreg $0xFFFFFFFF  }
0xb1: {  	s28 =	simm.s32 $_size_execute0_lowered;
	s10 =	sadd.s32 s10, s11;
	[dreg:$0x0] =	wrdreg $0x0  }
0xb2: {  	s11 =	sshll.u32 s28, $0x1;
	[dreg:$0x2] =	wrdreg s10  }
0xb3: {  	[dreg:$0x3] =	wrdreg s11  }
0xb4: {  	[dreg:$0x4] =	wrdreg $0xC0  }
0xb5: {  	_ =	task [dreg:s14], $0x5FFFF  }
0xb6: {  	[dreg:$0x1] =	wrdreg $0xFFFFFFFF  }
0xb7: {  	[dreg:$0x0] =	wrdreg $0x60  }
0xb8: {  	[dreg:$0x2] =	wrdreg s2  }
0xb9: {  	[dreg:$0x3] =	wrdreg s16  }
0xba: {  	[dreg:$0x4] =	wrdreg s5  }
0xbb: {  	[dreg:$0x5] =	wrdreg s6  }
0xbc: {  	[dreg:$0x6] =	wrdreg s7  }
0xbd: {  	[dreg:$0x7] =	wrdreg s17  }
0xbe: {  	[dreg:$0x8] =	wrdreg s18  }
0xbf: {  	[dreg:$0x9] =	wrdreg s19  }
0xc0: {  	[dreg:$0xa] =	wrdreg $0x9  }
0xc1: {  	_ =	task.clear_ibuf [dreg:s14], $0xBFFFF;
	_ =	strace $0x90000046  }
0xc2: {  	s29 =	simm.s32 $0x9;
	_ =	strace $0x80000048  }
0xc3: {  	_ =	swait.ge [sflag:s29], $0x1  }
0xc4: {  	[sflag:s29] =	ssyncadd.s32 $0xFFFFFFFF  }
0xc5: {  	_ =	strace $0x90000048  }
0xc6: {  	_ =	sfence  }
0xc7: {  	s30 =	sld [smem:$0x0];
	_ =	sdelay $0x2  }
0xc8: {  	s31 =	sshll.u32 s1, $0xD;
	s1 =	sshrl.u32 s1, $0x2  }
0xc9: {  	s3 =	sand.u32 $0x4000, s31;
	s1 =	sadd.s32 s1, s30  }
0xca: {  	s0 =	sor.u32 s3, s0;
	s1 =	sshll.u32 s1, $0x11  }
0xcb: {  	s0 =	sor.u32 s1, s0  }
0xcc: {  	s0 =	sadd.s32 $0x8F2B, s0  }
0xcd: {  	[sflag:s0] =	ssyncadd.remote.s32 $0x1  }
0xce: {  	_ =	sfence.sel $0xFFFF  }
0xcf: {  	[dreg:$0x0] =	wrdreg $0xFFFFFFFF;
	(pc) =	sbr.abs _section_cstart, $3  }
0xd0: {  	[dreg:$0x1] =	wrdreg $0xFFFFFFFF  }
0xd1: {  	_ =	task.clear_ibuf [dreg:s14], $0x2FFFF;
	_ =	strace $0x9FFFFFFF  }
0xd2: {  	(tm) =	ssettm $0x7FFFFFFF  }
0xd3: {  	_ =	shalt  }
tec
execute0_lowered:
.L_overlay_start_1:
0x0: {  	(tag) =	ssettag $0x1  }
0x1: {  	s0 =	rddreg [dreg:$0x0]  }
0x2: {  	s1 =	rddreg [dreg:$0x1]  }
0x3: {  	s4 =	rddreg [dreg:$0x2]  }
0x4: {  	s3 =	rddreg [dreg:$0x3]  }
0x5: {  	s7 =	rddreg [dreg:$0x4]  }
0x6: {  	s5 =	rddreg [dreg:$0x5]  }
0x7: {  	s2 =	srdreg.scid;
	s6 =	rddreg [dreg:$0x6]  }
0x8: {  	s10 =	stileid.u32;
	s9 =	rddreg [dreg:$0x7];
	s29 =	simm.s32 $0x9  }
0x9: {  	s30 =	simm.s32 $0x100;
	s31 =	simm.s32 $0x180;
	s8 =	sand.u32 $0x1, s2  }
0xa: {  	s28 =	simm.s32 $0x280;
	s10 =	sshll.u32 s10, $0xA;
	s11 =	sshll.u32 s8, $0x9  }
0xb: {  	s25 =	simm.s32 $0x300;
	s2 =	simm.s32 $0x0;
	s10 =	sor.u32 s11, s10  }
0xc: {  	p0 =	por $0x0, $0x0;
	[smem:$0x7FF] =	sst s2;
	s11 =	sshrl.u32 s10, $0x3  }
0xd: {  	s20 =	ssub.s32 $0x2, s8;
	s8 =	simm.s32 $0x8600;
	s0 =	sadd.s32 s0, s11  }
0xe: {  	_ =	strace $0x80000047;
	s26 =	sadd.s32 s1, s11;
	[dreg:$0x9] =	wrdreg s0  }
0xf: {  	s1 =	sadd.s32 s4, s11;
	s4 =	sshll.u32 s10, $0x4;
	[dreg:$0xa] =	wrdreg s26  }
0x10: {  	s22 =	sshrl.u32 s20, $0x1;
	[dreg:$0xb] =	wrdreg s1;
	s10 =	sadd.s32 s5, s4  }
0x11: {  	s11 =	sor.u32 $0x800, s4;
	s14 =	sor.u32 $0x1800, s4;
	s16 =	sadd.s32 s6, s4  }
0x12: {  	s21 =	sadd.s32 s9, s4;
	s1 =	ssub.s32 s20, s22;
	s26 =	simm.s32 $0x200  }
0x13: {  	s22 =	simm.s32 $0x500;
	s20 =	simm.s32 $0x580;
	[dreg:$0xc] =	wrdreg s10  }
0x14: {  	s12 =	sadd.s32 s5, s11;
	s10 =	sor.u32 $0x1000, s4;
	[dreg:$0x10] =	wrdreg s16  }
0x15: {  	s15 =	sadd.s32 s5, s14;
	s17 =	sadd.s32 s6, s11;
	[dreg:$0x14] =	wrdreg s21  }
0x16: {  	s19 =	sadd.s32 s6, s14;
	s23 =	sadd.s32 s9, s11;
	s0 =	rddreg [dreg:$0x9]  }
0x17: {  	s4 =	sadd.s32 s9, s14;
	s24 =	smax.u32 s1, $0x1;
	[dreg:$0xd] =	wrdreg s12  }
0x18: {  	s21 =	simm.s32 $0x400;
	s16 =	simm.s32 $0x2;
	[dreg:$0xf] =	wrdreg s15  }
0x19: {  	s14 =	simm.s32 $0x6;
	s11 =	simm.s32 $0x7;
	[dreg:$0x11] =	wrdreg s17  }
0x1a: {  	s13 =	sadd.s32 s5, s10;
	s18 =	sadd.s32 s6, s10;
	[dreg:$0x13] =	wrdreg s19  }
0x1b: {  	[dreg:$0x15] =	wrdreg s23;
	s5 =	sadd.s32 s9, s10;
	p1 =	sne.s32 s24, $0x1  }
.Ltmp0:
0x1c: {  	s17 =	simm.s32 $0x80;
	s15 =	simm.s32 $0x600;
	(pc) =	sbr.rel @!p1 .LBB2_3-.Ltmp0, $4  }
0x1d: {  	s9 =	simm.s32 $0x4600;
	s6 =	simm.s32 $0xC600;
	s19 =	simm.s32 $0x1  }
0x1e: {  	s1 =	sadd.s32 $0xFFFFFFFF, s24;
	s12 =	simm.s32 $0x4;
	s10 =	simm.s32 $0x8  }
0x1f: {  	s24 =	simm.s32 $0x380;
	s23 =	simm.s32 $0x480;
	[dreg:$0xe] =	wrdreg s13  }
0x20: {  	[dreg:$0x12] =	wrdreg s18;
	s18 =	simm.s32 $0x5;
	s13 =	simm.s32 $0x3  }
0x21: {  	[tilespmem:s2], [sflag:$0x9] =	stream.linear.gather [hbm4b:s0+s2], $0x200, $0x38;
	[tilespmem:$0x10600] =	vst v63  }
0x22: {  	_ =	swait.ge [sflag:s29], $0x200  }
0x23: {  	[sflag:s29] =	ssyncset.done $0x0  }
0x24: {  	s0 =	rddreg [dreg:$0xa];
	[sflag:s29] =	ssyncadd.s32 $0xFFFFFE00  }
0x25: {  	[tilespmem:s26], [sflag:$0x9] =	stream.linear.gather [hbm4b:s0+s2], $0x200, $0x38;
	[tilespmem:$0x10600] =	vst v63  }
0x26: {  	_ =	swait.ge [sflag:s29], $0x200  }
0x27: {  	[sflag:s29] =	ssyncset.done $0x0  }
0x28: {  	s0 =	rddreg [dreg:$0xb];
	[sflag:s29] =	ssyncadd.s32 $0xFFFFFE00  }
0x29: {  	[tilespmem:s21], [sflag:$0x9] =	stream.linear.gather [hbm4b:s0+s2], $0x200, $0x38;
	[tilespmem:$0x10600] =	vst v63  }
0x2a: {  	_ =	swait.ge [sflag:s29], $0x200  }
0x2b: {  	[sflag:s29] =	ssyncset.done $0x0  }
0x2c: {  	[sflag:s29] =	ssyncadd.s32 $0xFFFFFE00  }
0x2d: {  	[tilespmem:s15], [sflag:$0x1] =	stream.indirect.gather [hbm4b:s3+s17], $0x80, s2, s17, $0xb8;
	[tilespmem:$0x10600] =	vst v63  }
0x2e: {  	_ = 	snop  }
0x2f: {  	[tilespmem:s9], [sflag:$0x2] =	stream.indirect.gather [hbm4b:s3+s17], $0x80, s17, s17, $0xb8;
	[tilespmem:$0x10600] =	vst v63  }
0x30: {  	_ = 	snop  }
0x31: {  	[tilespmem:s8], [sflag:$0x3] =	stream.indirect.gather [hbm4b:s3+s17], $0x80, s30, s17, $0xb8;
	[tilespmem:$0x10600] =	vst v63  }
0x32: {  	_ = 	snop  }
0x33: {  	[tilespmem:s6], [sflag:$0x4] =	stream.indirect.gather [hbm4b:s3+s17], $0x80, s31, s17, $0xb8;
	[tilespmem:$0x10600] =	vst v63  }
0x34: {  	_ =	swait.ge [sflag:s19], $0x4000  }
0x35: {  	[sflag:s19] =	ssyncset.done $0x0  }
0x36: {  	s0 =	rddreg [dreg:$0xc];
	[sflag:s19] =	ssyncadd.s32 $0xFFFFC000  }
0x37: {  	[hbm4b:s0+s2] =	stream.linear.scatter [tilespmem:s15], [sflag:$0x5], $0x4000, $0x38;
	[tilespmem:$0x10600] =	vst v63  }
0x38: {  	_ =	swait.ge [sflag:s18], $0x4000  }
0x39: {  	[sflag:s18] =	ssyncset.done $0x0  }
0x3a: {  	[sflag:s18] =	ssyncadd.s32 $0xFFFFC000  }
0x3b: {  	[tilespmem:s15], [sflag:$0x1] =	stream.indirect.gather [hbm4b:s7+s17], $0x80, s26, s17, $0xb8;
	[tilespmem:$0x10600] =	vst v63  }
0x3c: {  	_ =	swait.ge [sflag:s16], $0x4000  }
0x3d: {  	[sflag:s16] =	ssyncset.done $0x0  }
0x3e: {  	s0 =	rddreg [dreg:$0xd];
	[sflag:s16] =	ssyncadd.s32 $0xFFFFC000  }
0x3f: {  	[hbm4b:s0+s2] =	stream.linear.scatter [tilespmem:s9], [sflag:$0x6], $0x4000, $0x38;
	[tilespmem:$0x10600] =	vst v63  }
0x40: {  	_ =	swait.ge [sflag:s14], $0x4000  }
0x41: {  	[sflag:s14] =	ssyncset.done $0x0  }
0x42: {  	[sflag:s14] =	ssyncadd.s32 $0xFFFFC000  }
0x43: {  	[tilespmem:s9], [sflag:$0x2] =	stream.indirect.gather [hbm4b:s7+s17], $0x80, s28, s17, $0xb8;
	[tilespmem:$0x10600] =	vst v63  }
0x44: {  	_ =	swait.ge [sflag:s13], $0x4000  }
0x45: {  	[sflag:s13] =	ssyncset.done $0x0  }
0x46: {  	s0 =	rddreg [dreg:$0xe];
	[sflag:s13] =	ssyncadd.s32 $0xFFFFC000  }
0x47: {  	[hbm4b:s0+s2] =	stream.linear.scatter [tilespmem:s8], [sflag:$0x7], $0x4000, $0x38;
	[tilespmem:$0x10600] =	vst v63  }
0x48: {  	_ =	swait.ge [sflag:s11], $0x4000  }
0x49: {  	[sflag:s11] =	ssyncset.done $0x0  }
0x4a: {  	[sflag:s11] =	ssyncadd.s32 $0xFFFFC000  }
0x4b: {  	[tilespmem:s8], [sflag:$0x3] =	stream.indirect.gather [hbm4b:s7+s17], $0x80, s25, s17, $0xb8;
	[tilespmem:$0x10600] =	vst v63  }
0x4c: {  	_ =	swait.ge [sflag:s12], $0x4000  }
0x4d: {  	[sflag:s12] =	ssyncset.done $0x0  }
0x4e: {  	s0 =	rddreg [dreg:$0xf];
	[sflag:s12] =	ssyncadd.s32 $0xFFFFC000  }
0x4f: {  	[hbm4b:s0+s2] =	stream.linear.scatter [tilespmem:s6], [sflag:$0x8], $0x4000, $0x38;
	[tilespmem:$0x10600] =	vst v63  }
0x50: {  	_ =	swait.ge [sflag:s10], $0x4000  }
0x51: {  	[sflag:s10] =	ssyncset.done $0x0  }
0x52: {  	[sflag:s10] =	ssyncadd.s32 $0xFFFFC000  }
0x53: {  	[tilespmem:s6], [sflag:$0x4] =	stream.indirect.gather [hbm4b:s7+s17], $0x80, s24, s17, $0xb8;
	[tilespmem:$0x10600] =	vst v63  }
0x54: {  	_ =	swait.ge [sflag:s19], $0x4000  }
0x55: {  	[sflag:s19] =	ssyncset.done $0x0  }
0x56: {  	s0 =	rddreg [dreg:$0x10];
	[sflag:s19] =	ssyncadd.s32 $0xFFFFC000  }
0x57: {  	[hbm4b:s0+s2] =	stream.linear.scatter [tilespmem:s15], [sflag:$0x5], $0x4000, $0x38;
	[tilespmem:$0x10600] =	vst v63  }
0x58: {  	_ =	swait.ge [sflag:s18], $0x4000  }
0x59: {  	[sflag:s18] =	ssyncset.done $0x0  }
0x5a: {  	[sflag:s18] =	ssyncadd.s32 $0xFFFFC000  }
0x5b: {  	[tilespmem:s15], [sflag:$0x1] =	stream.indirect.gather [hbm4b:s3+s17], $0x80, s21, s17, $0xb8;
	[tilespmem:$0x10600] =	vst v63  }
0x5c: {  	_ =	swait.ge [sflag:s16], $0x4000  }
0x5d: {  	[sflag:s16] =	ssyncset.done $0x0  }
0x5e: {  	s0 =	rddreg [dreg:$0x11];
	[sflag:s16] =	ssyncadd.s32 $0xFFFFC000  }
0x5f: {  	[hbm4b:s0+s2] =	stream.linear.scatter [tilespmem:s9], [sflag:$0x6], $0x4000, $0x38;
	[tilespmem:$0x10600] =	vst v63  }
0x60: {  	_ =	swait.ge [sflag:s14], $0x4000  }
0x61: {  	[sflag:s14] =	ssyncset.done $0x0  }
0x62: {  	[sflag:s14] =	ssyncadd.s32 $0xFFFFC000  }
0x63: {  	[tilespmem:s9], [sflag:$0x2] =	stream.indirect.gather [hbm4b:s3+s17], $0x80, s23, s17, $0xb8;
	[tilespmem:$0x10600] =	vst v63  }
0x64: {  	_ =	swait.ge [sflag:s13], $0x4000  }
0x65: {  	[sflag:s13] =	ssyncset.done $0x0  }
0x66: {  	s0 =	rddreg [dreg:$0x12];
	[sflag:s13] =	ssyncadd.s32 $0xFFFFC000  }
0x67: {  	[hbm4b:s0+s2] =	stream.linear.scatter [tilespmem:s8], [sflag:$0x7], $0x4000, $0x38;
	[tilespmem:$0x10600] =	vst v63  }
0x68: {  	_ =	swait.ge [sflag:s11], $0x4000  }
0x69: {  	[sflag:s11] =	ssyncset.done $0x0  }
0x6a: {  	[sflag:s11] =	ssyncadd.s32 $0xFFFFC000  }
0x6b: {  	[tilespmem:s8], [sflag:$0x3] =	stream.indirect.gather [hbm4b:s3+s17], $0x80, s22, s17, $0xb8;
	[tilespmem:$0x10600] =	vst v63  }
0x6c: {  	_ =	swait.ge [sflag:s12], $0x4000  }
0x6d: {  	[sflag:s12] =	ssyncset.done $0x0  }
0x6e: {  	s0 =	rddreg [dreg:$0x13];
	[sflag:s12] =	ssyncadd.s32 $0xFFFFC000  }
0x6f: {  	[hbm4b:s0+s2] =	stream.linear.scatter [tilespmem:s6], [sflag:$0x8], $0x4000, $0x38;
	[tilespmem:$0x10600] =	vst v63  }
0x70: {  	_ =	swait.ge [sflag:s10], $0x4000  }
0x71: {  	[sflag:s10] =	ssyncset.done $0x0  }
0x72: {  	[sflag:s10] =	ssyncadd.s32 $0xFFFFC000  }
0x73: {  	[tilespmem:s6], [sflag:$0x4] =	stream.indirect.gather [hbm4b:s3+s17], $0x80, s20, s17, $0xb8;
	[tilespmem:$0x10600] =	vst v63  }
0x74: {  	_ =	swait.ge [sflag:s19], $0x4000  }
0x75: {  	[sflag:s19] =	ssyncset.done $0x0  }
0x76: {  	s0 =	rddreg [dreg:$0x14];
	[sflag:s19] =	ssyncadd.s32 $0xFFFFC000  }
0x77: {  	[hbm4b:s0+s2] =	stream.linear.scatter [tilespmem:s15], [sflag:$0x5], $0x4000, $0x38;
	[tilespmem:$0x10600] =	vst v63  }
0x78: {  	_ =	swait.ge [sflag:s18], $0x4000  }
0x79: {  	[sflag:s18] =	ssyncset.done $0x0  }
0x7a: {  	[sflag:s18] =	ssyncadd.s32 $0xFFFFC000  }
0x7b: {  	_ =	swait.ge [sflag:s16], $0x4000  }
0x7c: {  	[sflag:s16] =	ssyncset.done $0x0  }
0x7d: {  	s0 =	rddreg [dreg:$0x15];
	[sflag:s16] =	ssyncadd.s32 $0xFFFFC000  }
0x7e: {  	[hbm4b:s0+s2] =	stream.linear.scatter [tilespmem:s9], [sflag:$0x6], $0x4000, $0x38;
	[tilespmem:$0x10600] =	vst v63  }
0x7f: {  	_ =	swait.ge [sflag:s14], $0x4000  }
0x80: {  	[sflag:s14] =	ssyncset.done $0x0  }
0x81: {  	[sflag:s14] =	ssyncadd.s32 $0xFFFFC000  }
0x82: {  	_ =	swait.ge [sflag:s13], $0x4000  }
0x83: {  	[sflag:s13] =	ssyncset.done $0x0  }
0x84: {  	[sflag:s13] =	ssyncadd.s32 $0xFFFFC000  }
0x85: {  	[hbm4b:s5+s2] =	stream.linear.scatter [tilespmem:s8], [sflag:$0x7], $0x4000, $0x38;
	[tilespmem:$0x10600] =	vst v63  }
0x86: {  	_ =	swait.ge [sflag:s11], $0x4000  }
0x87: {  	[sflag:s11] =	ssyncset.done $0x0  }
0x88: {  	[sflag:s11] =	ssyncadd.s32 $0xFFFFC000  }
0x89: {  	p1 =	sne.s32 s1, $0x1;
	_ =	swait.ge [sflag:s12], $0x4000  }
.Ltmp1:
0x8a: {  	[sflag:s12] =	ssyncset.done $0x0;
	(pc) =	sbr.rel @!p1 .LBB2_3-.Ltmp1, $4  }
0x8b: {  	[sflag:s12] =	ssyncadd.s32 $0xFFFFC000  }
0x8c: {  	[hbm4b:s4+s2] =	stream.linear.scatter [tilespmem:s6], [sflag:$0x8], $0x4000, $0x38;
	[tilespmem:$0x10600] =	vst v63  }
0x8d: {  	s1 =	sadd.s32 $0xFFFFFFFF, s1;
	_ =	swait.ge [sflag:s10], $0x4000  }
0x8e: {  	p0 =	por $0x1, $0x1;
	s0 =	rddreg [dreg:$0x9];
	[sflag:s10] =	ssyncset.done $0x0  }
.LBB2_2:
0x8f: {  	[sflag:s10] =	ssyncadd.s32 $0xFFFFC000  }
0x90: {  	[tilespmem:s2], [sflag:$0x9] =	stream.linear.gather [hbm4b:s0+s2], $0x200, $0x38;
	[tilespmem:$0x10600] =	vst v63  }
0x91: {  	_ =	swait.ge [sflag:s29], $0x200  }
0x92: {  	[sflag:s29] =	ssyncset.done $0x0  }
0x93: {  	s0 =	rddreg [dreg:$0xa];
	[sflag:s29] =	ssyncadd.s32 $0xFFFFFE00  }
0x94: {  	[tilespmem:s26], [sflag:$0x9] =	stream.linear.gather [hbm4b:s0+s2], $0x200, $0x38;
	[tilespmem:$0x10600] =	vst v63  }
0x95: {  	_ =	swait.ge [sflag:s29], $0x200  }
0x96: {  	[sflag:s29] =	ssyncset.done $0x0  }
0x97: {  	s0 =	rddreg [dreg:$0xb];
	[sflag:s29] =	ssyncadd.s32 $0xFFFFFE00  }
0x98: {  	[tilespmem:s21], [sflag:$0x9] =	stream.linear.gather [hbm4b:s0+s2], $0x200, $0x38;
	[tilespmem:$0x10600] =	vst v63  }
0x99: {  	_ =	swait.ge [sflag:s29], $0x200  }
0x9a: {  	[sflag:s29] =	ssyncset.done $0x0  }
0x9b: {  	[sflag:s29] =	ssyncadd.s32 $0xFFFFFE00  }
0x9c: {  	[tilespmem:s15], [sflag:$0x1] =	stream.indirect.gather [hbm4b:s3+s17], $0x80, s2, s17, $0xb8;
	[tilespmem:$0x10600] =	vst v63  }
0x9d: {  	_ = 	snop  }
0x9e: {  	[tilespmem:s9], [sflag:$0x2] =	stream.indirect.gather [hbm4b:s3+s17], $0x80, s17, s17, $0xb8;
	[tilespmem:$0x10600] =	vst v63  }
0x9f: {  	_ = 	snop  }
0xa0: {  	[tilespmem:s8], [sflag:$0x3] =	stream.indirect.gather [hbm4b:s3+s17], $0x80, s30, s17, $0xb8;
	[tilespmem:$0x10600] =	vst v63  }
0xa1: {  	_ = 	snop  }
0xa2: {  	[tilespmem:s6], [sflag:$0x4] =	stream.indirect.gather [hbm4b:s3+s17], $0x80, s31, s17, $0xb8;
	[tilespmem:$0x10600] =	vst v63  }
0xa3: {  	_ =	swait.ge [sflag:s19], $0x4000  }
0xa4: {  	[sflag:s19] =	ssyncset.done $0x0  }
0xa5: {  	s0 =	rddreg [dreg:$0xc];
	[sflag:s19] =	ssyncadd.s32 $0xFFFFC000  }
0xa6: {  	[hbm4b:s0+s2] =	stream.linear.scatter [tilespmem:s15], [sflag:$0x5], $0x4000, $0x38;
	[tilespmem:$0x10600] =	vst v63  }
0xa7: {  	_ =	swait.ge [sflag:s18], $0x4000  }
0xa8: {  	[sflag:s18] =	ssyncset.done $0x0  }
0xa9: {  	[sflag:s18] =	ssyncadd.s32 $0xFFFFC000  }
0xaa: {  	[tilespmem:s15], [sflag:$0x1] =	stream.indirect.gather [hbm4b:s7+s17], $0x80, s26, s17, $0xb8;
	[tilespmem:$0x10600] =	vst v63  }
0xab: {  	_ =	swait.ge [sflag:s16], $0x4000  }
0xac: {  	[sflag:s16] =	ssyncset.done $0x0  }
0xad: {  	s0 =	rddreg [dreg:$0xd];
	[sflag:s16] =	ssyncadd.s32 $0xFFFFC000  }
0xae: {  	[hbm4b:s0+s2] =	stream.linear.scatter [tilespmem:s9], [sflag:$0x6], $0x4000, $0x38;
	[tilespmem:$0x10600] =	vst v63  }
0xaf: {  	_ =	swait.ge [sflag:s14], $0x4000  }
0xb0: {  	[sflag:s14] =	ssyncset.done $0x0  }
0xb1: {  	[sflag:s14] =	ssyncadd.s32 $0xFFFFC000  }
0xb2: {  	[tilespmem:s9], [sflag:$0x2] =	stream.indirect.gather [hbm4b:s7+s17], $0x80, s28, s17, $0xb8;
	[tilespmem:$0x10600] =	vst v63  }
0xb3: {  	_ =	swait.ge [sflag:s13], $0x4000  }
0xb4: {  	[sflag:s13] =	ssyncset.done $0x0  }
0xb5: {  	s0 =	rddreg [dreg:$0xe];
	[sflag:s13] =	ssyncadd.s32 $0xFFFFC000  }
0xb6: {  	[hbm4b:s0+s2] =	stream.linear.scatter [tilespmem:s8], [sflag:$0x7], $0x4000, $0x38;
	[tilespmem:$0x10600] =	vst v63  }
0xb7: {  	_ =	swait.ge [sflag:s11], $0x4000  }
0xb8: {  	[sflag:s11] =	ssyncset.done $0x0  }
0xb9: {  	[sflag:s11] =	ssyncadd.s32 $0xFFFFC000  }
0xba: {  	[tilespmem:s8], [sflag:$0x3] =	stream.indirect.gather [hbm4b:s7+s17], $0x80, s25, s17, $0xb8;
	[tilespmem:$0x10600] =	vst v63  }
0xbb: {  	_ =	swait.ge [sflag:s12], $0x4000  }
0xbc: {  	[sflag:s12] =	ssyncset.done $0x0  }
0xbd: {  	s0 =	rddreg [dreg:$0xf];
	[sflag:s12] =	ssyncadd.s32 $0xFFFFC000  }
0xbe: {  	[hbm4b:s0+s2] =	stream.linear.scatter [tilespmem:s6], [sflag:$0x8], $0x4000, $0x38;
	[tilespmem:$0x10600] =	vst v63  }
0xbf: {  	_ =	swait.ge [sflag:s10], $0x4000  }
0xc0: {  	[sflag:s10] =	ssyncset.done $0x0  }
0xc1: {  	[sflag:s10] =	ssyncadd.s32 $0xFFFFC000  }
0xc2: {  	[tilespmem:s6], [sflag:$0x4] =	stream.indirect.gather [hbm4b:s7+s17], $0x80, s24, s17, $0xb8;
	[tilespmem:$0x10600] =	vst v63  }
0xc3: {  	_ =	swait.ge [sflag:s19], $0x4000  }
0xc4: {  	[sflag:s19] =	ssyncset.done $0x0  }
0xc5: {  	s0 =	rddreg [dreg:$0x10];
	[sflag:s19] =	ssyncadd.s32 $0xFFFFC000  }
0xc6: {  	[hbm4b:s0+s2] =	stream.linear.scatter [tilespmem:s15], [sflag:$0x5], $0x4000, $0x38;
	[tilespmem:$0x10600] =	vst v63  }
0xc7: {  	_ =	swait.ge [sflag:s18], $0x4000  }
0xc8: {  	[sflag:s18] =	ssyncset.done $0x0  }
0xc9: {  	[sflag:s18] =	ssyncadd.s32 $0xFFFFC000  }
0xca: {  	[tilespmem:s15], [sflag:$0x1] =	stream.indirect.gather [hbm4b:s3+s17], $0x80, s21, s17, $0xb8;
	[tilespmem:$0x10600] =	vst v63  }
0xcb: {  	_ =	swait.ge [sflag:s16], $0x4000  }
0xcc: {  	[sflag:s16] =	ssyncset.done $0x0  }
0xcd: {  	s0 =	rddreg [dreg:$0x11];
	[sflag:s16] =	ssyncadd.s32 $0xFFFFC000  }
0xce: {  	[hbm4b:s0+s2] =	stream.linear.scatter [tilespmem:s9], [sflag:$0x6], $0x4000, $0x38;
	[tilespmem:$0x10600] =	vst v63  }
0xcf: {  	_ =	swait.ge [sflag:s14], $0x4000  }
0xd0: {  	[sflag:s14] =	ssyncset.done $0x0  }
0xd1: {  	[sflag:s14] =	ssyncadd.s32 $0xFFFFC000  }
0xd2: {  	[tilespmem:s9], [sflag:$0x2] =	stream.indirect.gather [hbm4b:s3+s17], $0x80, s23, s17, $0xb8;
	[tilespmem:$0x10600] =	vst v63  }
0xd3: {  	_ =	swait.ge [sflag:s13], $0x4000  }
0xd4: {  	[sflag:s13] =	ssyncset.done $0x0  }
0xd5: {  	s0 =	rddreg [dreg:$0x12];
	[sflag:s13] =	ssyncadd.s32 $0xFFFFC000  }
0xd6: {  	[hbm4b:s0+s2] =	stream.linear.scatter [tilespmem:s8], [sflag:$0x7], $0x4000, $0x38;
	[tilespmem:$0x10600] =	vst v63  }
0xd7: {  	_ =	swait.ge [sflag:s11], $0x4000  }
0xd8: {  	[sflag:s11] =	ssyncset.done $0x0  }
0xd9: {  	[sflag:s11] =	ssyncadd.s32 $0xFFFFC000  }
0xda: {  	[tilespmem:s8], [sflag:$0x3] =	stream.indirect.gather [hbm4b:s3+s17], $0x80, s22, s17, $0xb8;
	[tilespmem:$0x10600] =	vst v63  }
0xdb: {  	_ =	swait.ge [sflag:s12], $0x4000  }
0xdc: {  	[sflag:s12] =	ssyncset.done $0x0  }
0xdd: {  	s0 =	rddreg [dreg:$0x13];
	[sflag:s12] =	ssyncadd.s32 $0xFFFFC000  }
0xde: {  	[hbm4b:s0+s2] =	stream.linear.scatter [tilespmem:s6], [sflag:$0x8], $0x4000, $0x38;
	[tilespmem:$0x10600] =	vst v63  }
0xdf: {  	_ =	swait.ge [sflag:s10], $0x4000  }
0xe0: {  	[sflag:s10] =	ssyncset.done $0x0  }
0xe1: {  	[sflag:s10] =	ssyncadd.s32 $0xFFFFC000  }
0xe2: {  	[tilespmem:s6], [sflag:$0x4] =	stream.indirect.gather [hbm4b:s3+s17], $0x80, s20, s17, $0xb8;
	[tilespmem:$0x10600] =	vst v63  }
0xe3: {  	_ =	swait.ge [sflag:s19], $0x4000  }
0xe4: {  	[sflag:s19] =	ssyncset.done $0x0  }
0xe5: {  	s0 =	rddreg [dreg:$0x14];
	[sflag:s19] =	ssyncadd.s32 $0xFFFFC000  }
0xe6: {  	[hbm4b:s0+s2] =	stream.linear.scatter [tilespmem:s15], [sflag:$0x5], $0x4000, $0x38;
	[tilespmem:$0x10600] =	vst v63  }
0xe7: {  	_ =	swait.ge [sflag:s18], $0x4000  }
0xe8: {  	[sflag:s18] =	ssyncset.done $0x0  }
0xe9: {  	[sflag:s18] =	ssyncadd.s32 $0xFFFFC000  }
0xea: {  	_ =	swait.ge [sflag:s16], $0x4000  }
0xeb: {  	[sflag:s16] =	ssyncset.done $0x0  }
0xec: {  	s0 =	rddreg [dreg:$0x15];
	[sflag:s16] =	ssyncadd.s32 $0xFFFFC000  }
0xed: {  	[hbm4b:s0+s2] =	stream.linear.scatter [tilespmem:s9], [sflag:$0x6], $0x4000, $0x38;
	[tilespmem:$0x10600] =	vst v63  }
0xee: {  	_ =	swait.ge [sflag:s14], $0x4000  }
0xef: {  	[sflag:s14] =	ssyncset.done $0x0  }
0xf0: {  	[sflag:s14] =	ssyncadd.s32 $0xFFFFC000  }
0xf1: {  	_ =	swait.ge [sflag:s13], $0x4000  }
0xf2: {  	[sflag:s13] =	ssyncset.done $0x0  }
0xf3: {  	[sflag:s13] =	ssyncadd.s32 $0xFFFFC000  }
0xf4: {  	[hbm4b:s5+s2] =	stream.linear.scatter [tilespmem:s8], [sflag:$0x7], $0x4000, $0x38;
	[tilespmem:$0x10600] =	vst v63  }
0xf5: {  	_ =	swait.ge [sflag:s11], $0x4000  }
0xf6: {  	[sflag:s11] =	ssyncset.done $0x0  }
0xf7: {  	[sflag:s11] =	ssyncadd.s32 $0xFFFFC000  }
0xf8: {  	p1 =	sne.s32 s1, $0x1;
	_ =	swait.ge [sflag:s12], $0x4000  }
.Ltmp2:
0xf9: {  	[sflag:s12] =	ssyncset.done $0x0;
	(pc) =	sbr.rel @p1 .LBB2_2-.Ltmp2, $4  }
0xfa: {  	[sflag:s12] =	ssyncadd.s32 $0xFFFFC000  }
0xfb: {  	[hbm4b:s4+s2] =	stream.linear.scatter [tilespmem:s6], [sflag:$0x8], $0x4000, $0x38;
	[tilespmem:$0x10600] =	vst v63  }
0xfc: {  	_ =	swait.ge [sflag:s10], $0x4000  }
0xfd: {  	s1 =	sadd.s32 $0xFFFFFFFF, s1;
	s0 =	rddreg [dreg:$0x9];
	[sflag:s10] =	ssyncset.done $0x0  }
.LBB2_3:
0xfe: {  	[sflag:s10] =	ssyncadd.s32 @p0 $0xFFFFC000  }
0xff: {  	[tilespmem:s2], [sflag:$0x9] =	stream.linear.gather [hbm4b:s0+s2], $0x200, $0x38;
	[tilespmem:$0x10600] =	vst v63  }
0x100: {  	_ =	swait.ge [sflag:s29], $0x200  }
0x101: {  	[sflag:s29] =	ssyncset.done $0x0  }
0x102: {  	s1 =	rddreg [dreg:$0xa];
	[sflag:s29] =	ssyncadd.s32 $0xFFFFFE00  }
0x103: {  	[tilespmem:s26], [sflag:$0x9] =	stream.linear.gather [hbm4b:s1+s2], $0x200, $0x38;
	[tilespmem:$0x10600] =	vst v63  }
0x104: {  	_ =	swait.ge [sflag:s29], $0x200  }
0x105: {  	[sflag:s29] =	ssyncset.done $0x0  }
0x106: {  	s1 =	rddreg [dreg:$0xb];
	[sflag:s29] =	ssyncadd.s32 $0xFFFFFE00  }
0x107: {  	[tilespmem:s21], [sflag:$0x9] =	stream.linear.gather [hbm4b:s1+s2], $0x200, $0x38;
	[tilespmem:$0x10600] =	vst v63  }
0x108: {  	_ =	swait.ge [sflag:s29], $0x200  }
0x109: {  	[sflag:s29] =	ssyncset.done $0x0  }
0x10a: {  	[sflag:s29] =	ssyncadd.s32 $0xFFFFFE00  }
0x10b: {  	[tilespmem:s15], [sflag:$0x1] =	stream.indirect.gather [hbm4b:s3+s17], $0x80, s2, s17, $0xb8;
	[tilespmem:$0x10600] =	vst v63  }
0x10c: {  	_ = 	snop  }
0x10d: {  	[tilespmem:s9], [sflag:$0x2] =	stream.indirect.gather [hbm4b:s3+s17], $0x80, s17, s17, $0xb8;
	[tilespmem:$0x10600] =	vst v63  }
0x10e: {  	_ = 	snop  }
0x10f: {  	[tilespmem:s8], [sflag:$0x3] =	stream.indirect.gather [hbm4b:s3+s17], $0x80, s30, s17, $0xb8;
	[tilespmem:$0x10600] =	vst v63  }
0x110: {  	_ = 	snop  }
0x111: {  	[tilespmem:s6], [sflag:$0x4] =	stream.indirect.gather [hbm4b:s3+s17], $0x80, s31, s17, $0xb8;
	[tilespmem:$0x10600] =	vst v63  }
0x112: {  	_ =	swait.ge [sflag:s19], $0x4000  }
0x113: {  	[sflag:s19] =	ssyncset.done $0x0  }
0x114: {  	s29 =	rddreg [dreg:$0xc];
	[sflag:s19] =	ssyncadd.s32 $0xFFFFC000  }
0x115: {  	[hbm4b:s29+s2] =	stream.linear.scatter [tilespmem:s15], [sflag:$0x5], $0x4000, $0x38;
	[tilespmem:$0x10600] =	vst v63  }
0x116: {  	_ =	swait.ge [sflag:s18], $0x4000  }
0x117: {  	[sflag:s18] =	ssyncset.done $0x0  }
0x118: {  	[sflag:s18] =	ssyncadd.s32 $0xFFFFC000  }
0x119: {  	[tilespmem:s15], [sflag:$0x1] =	stream.indirect.gather [hbm4b:s7+s17], $0x80, s26, s17, $0xb8;
	[tilespmem:$0x10600] =	vst v63  }
0x11a: {  	_ =	swait.ge [sflag:s16], $0x4000  }
0x11b: {  	[sflag:s16] =	ssyncset.done $0x0  }
0x11c: {  	s30 =	rddreg [dreg:$0xd];
	[sflag:s16] =	ssyncadd.s32 $0xFFFFC000  }
0x11d: {  	[hbm4b:s30+s2] =	stream.linear.scatter [tilespmem:s9], [sflag:$0x6], $0x4000, $0x38;
	[tilespmem:$0x10600] =	vst v63  }
0x11e: {  	_ =	swait.ge [sflag:s14], $0x4000  }
0x11f: {  	[sflag:s14] =	ssyncset.done $0x0  }
0x120: {  	[sflag:s14] =	ssyncadd.s32 $0xFFFFC000  }
0x121: {  	[tilespmem:s9], [sflag:$0x2] =	stream.indirect.gather [hbm4b:s7+s17], $0x80, s28, s17, $0xb8;
	[tilespmem:$0x10600] =	vst v63  }
0x122: {  	_ =	swait.ge [sflag:s13], $0x4000  }
0x123: {  	[sflag:s13] =	ssyncset.done $0x0  }
0x124: {  	s31 =	rddreg [dreg:$0xe];
	[sflag:s13] =	ssyncadd.s32 $0xFFFFC000  }
0x125: {  	[hbm4b:s31+s2] =	stream.linear.scatter [tilespmem:s8], [sflag:$0x7], $0x4000, $0x38;
	[tilespmem:$0x10600] =	vst v63  }
0x126: {  	_ =	swait.ge [sflag:s11], $0x4000  }
0x127: {  	[sflag:s11] =	ssyncset.done $0x0  }
0x128: {  	[sflag:s11] =	ssyncadd.s32 $0xFFFFC000  }
0x129: {  	[tilespmem:s8], [sflag:$0x3] =	stream.indirect.gather [hbm4b:s7+s17], $0x80, s25, s17, $0xb8;
	[tilespmem:$0x10600] =	vst v63  }
0x12a: {  	_ =	swait.ge [sflag:s12], $0x4000  }
0x12b: {  	[sflag:s12] =	ssyncset.done $0x0  }
0x12c: {  	s1 =	rddreg [dreg:$0xf];
	[sflag:s12] =	ssyncadd.s32 $0xFFFFC000  }
0x12d: {  	[hbm4b:s1+s2] =	stream.linear.scatter [tilespmem:s6], [sflag:$0x8], $0x4000, $0x38;
	[tilespmem:$0x10600] =	vst v63  }
0x12e: {  	_ =	swait.ge [sflag:s10], $0x4000  }
0x12f: {  	[sflag:s10] =	ssyncset.done $0x0  }
0x130: {  	[sflag:s10] =	ssyncadd.s32 $0xFFFFC000  }
0x131: {  	[tilespmem:s6], [sflag:$0x4] =	stream.indirect.gather [hbm4b:s7+s17], $0x80, s24, s17, $0xb8;
	[tilespmem:$0x10600] =	vst v63  }
0x132: {  	_ =	swait.ge [sflag:s19], $0x4000  }
0x133: {  	[sflag:s19] =	ssyncset.done $0x0  }
0x134: {  	s24 =	rddreg [dreg:$0x10];
	[sflag:s19] =	ssyncadd.s32 $0xFFFFC000  }
0x135: {  	[hbm4b:s24+s2] =	stream.linear.scatter [tilespmem:s15], [sflag:$0x5], $0x4000, $0x38;
	[tilespmem:$0x10600] =	vst v63  }
0x136: {  	_ =	swait.ge [sflag:s18], $0x4000  }
0x137: {  	[sflag:s18] =	ssyncset.done $0x0  }
0x138: {  	[sflag:s18] =	ssyncadd.s32 $0xFFFFC000  }
0x139: {  	[tilespmem:s15], [sflag:$0x1] =	stream.indirect.gather [hbm4b:s3+s17], $0x80, s21, s17, $0xb8;
	[tilespmem:$0x10600] =	vst v63  }
0x13a: {  	_ =	swait.ge [sflag:s16], $0x4000  }
0x13b: {  	[sflag:s16] =	ssyncset.done $0x0  }
0x13c: {  	s25 =	rddreg [dreg:$0x11];
	[sflag:s16] =	ssyncadd.s32 $0xFFFFC000  }
0x13d: {  	[hbm4b:s25+s2] =	stream.linear.scatter [tilespmem:s9], [sflag:$0x6], $0x4000, $0x38;
	[tilespmem:$0x10600] =	vst v63  }
0x13e: {  	_ =	swait.ge [sflag:s14], $0x4000  }
0x13f: {  	[sflag:s14] =	ssyncset.done $0x0  }
0x140: {  	[sflag:s14] =	ssyncadd.s32 $0xFFFFC000  }
0x141: {  	[tilespmem:s9], [sflag:$0x2] =	stream.indirect.gather [hbm4b:s3+s17], $0x80, s23, s17, $0xb8;
	[tilespmem:$0x10600] =	vst v63  }
0x142: {  	_ =	swait.ge [sflag:s13], $0x4000  }
0x143: {  	[sflag:s13] =	ssyncset.done $0x0  }
0x144: {  	s26 =	rddreg [dreg:$0x12];
	[sflag:s13] =	ssyncadd.s32 $0xFFFFC000  }
0x145: {  	[hbm4b:s26+s2] =	stream.linear.scatter [tilespmem:s8], [sflag:$0x7], $0x4000, $0x38;
	[tilespmem:$0x10600] =	vst v63  }
0x146: {  	_ =	swait.ge [sflag:s11], $0x4000  }
0x147: {  	[sflag:s11] =	ssyncset.done $0x0  }
0x148: {  	[sflag:s11] =	ssyncadd.s32 $0xFFFFC000  }
0x149: {  	[tilespmem:s8], [sflag:$0x3] =	stream.indirect.gather [hbm4b:s3+s17], $0x80, s22, s17, $0xb8;
	[tilespmem:$0x10600] =	vst v63  }
0x14a: {  	_ =	swait.ge [sflag:s12], $0x4000  }
0x14b: {  	[sflag:s12] =	ssyncset.done $0x0  }
0x14c: {  	s28 =	rddreg [dreg:$0x13];
	[sflag:s12] =	ssyncadd.s32 $0xFFFFC000  }
0x14d: {  	[hbm4b:s28+s2] =	stream.linear.scatter [tilespmem:s6], [sflag:$0x8], $0x4000, $0x38;
	[tilespmem:$0x10600] =	vst v63  }
0x14e: {  	_ =	swait.ge [sflag:s10], $0x4000  }
0x14f: {  	[sflag:s10] =	ssyncset.done $0x0  }
0x150: {  	[sflag:s10] =	ssyncadd.s32 $0xFFFFC000  }
0x151: {  	[tilespmem:s6], [sflag:$0x4] =	stream.indirect.gather [hbm4b:s3+s17], $0x80, s20, s17, $0xb8;
	[tilespmem:$0x10600] =	vst v63  }
0x152: {  	_ =	swait.ge [sflag:s19], $0x4000  }
0x153: {  	[sflag:s19] =	ssyncset.done $0x0  }
0x154: {  	s29 =	rddreg [dreg:$0x14];
	[sflag:s19] =	ssyncadd.s32 $0xFFFFC000  }
0x155: {  	[hbm4b:s29+s2] =	stream.linear.scatter [tilespmem:s15], [sflag:$0x5], $0x4000, $0x38;
	[tilespmem:$0x10600] =	vst v63  }
0x156: {  	_ =	swait.ge [sflag:s18], $0x4000  }
0x157: {  	[sflag:s18] =	ssyncset.done $0x0  }
0x158: {  	[sflag:s18] =	ssyncadd.s32 $0xFFFFC000  }
0x159: {  	_ =	swait.ge [sflag:s16], $0x4000  }
0x15a: {  	[sflag:s16] =	ssyncset.done $0x0  }
0x15b: {  	s30 =	rddreg [dreg:$0x15];
	[sflag:s16] =	ssyncadd.s32 $0xFFFFC000  }
0x15c: {  	[hbm4b:s30+s2] =	stream.linear.scatter [tilespmem:s9], [sflag:$0x6], $0x4000, $0x38;
	[tilespmem:$0x10600] =	vst v63  }
0x15d: {  	_ =	swait.ge [sflag:s14], $0x4000  }
0x15e: {  	[sflag:s14] =	ssyncset.done $0x0  }
0x15f: {  	[sflag:s14] =	ssyncadd.s32 $0xFFFFC000  }
0x160: {  	_ =	swait.ge [sflag:s13], $0x4000  }
0x161: {  	[sflag:s13] =	ssyncset.done $0x0  }
0x162: {  	[sflag:s13] =	ssyncadd.s32 $0xFFFFC000  }
0x163: {  	[hbm4b:s5+s2] =	stream.linear.scatter [tilespmem:s8], [sflag:$0x7], $0x4000, $0x38;
	[tilespmem:$0x10600] =	vst v63  }
0x164: {  	_ =	swait.ge [sflag:s11], $0x4000  }
0x165: {  	[sflag:s11] =	ssyncset.done $0x0  }
0x166: {  	[sflag:s11] =	ssyncadd.s32 $0xFFFFC000  }
0x167: {  	_ =	swait.ge [sflag:s12], $0x4000  }
0x168: {  	[sflag:s12] =	ssyncset.done $0x0  }
0x169: {  	[sflag:s12] =	ssyncadd.s32 $0xFFFFC000  }
0x16a: {  	[hbm4b:s4+s2] =	stream.linear.scatter [tilespmem:s6], [sflag:$0x8], $0x4000, $0x38;
	[tilespmem:$0x10600] =	vst v63  }
0x16b: {  	_ =	swait.ge [sflag:s10], $0x4000  }
0x16c: {  	[sflag:s10] =	ssyncset.done $0x0  }
0x16d: {  	[sflag:s10] =	ssyncadd.s32 $0xFFFFC000  }
0x16e: {  	_ =	sfence.sel $0x180000  }
0x16f: {  	[bflag:$0x0] =	sbarrier.arrive $0xFFFF  }
0x170: {  	_ =	strace $0x90000047  }
0x171: {  	s31 =	stileid.u32;
	[bflag:$0x2] =	sbarrier.arrive $0xFFFF  }
0x172: {  	p0 =	sne.s32 s31, $0x0;
	s0 =	rddreg [dreg:$0x8]  }
0x173: {  	s0 =	sadd.s32 @!p0 $0x100000, s0  }
0x174: {  	[sflag:s0] =	ssyncadd.tile.s32 @!p0 $0x1;
	_ =	shalt  }
.Lfunc_end2:
_tile_overlayer_lowered:
.L_overlay_start_2:
0x175: {  	(tag) =	ssettag $0x2  }
0x176: {  	s0 =	rddreg [dreg:$0x0];
	s2 =	stileid.u32  }
0x177: {  	s1 =	rddreg [dreg:$0x1];
	p0 =	sne.s32 s2, $0x0  }
0x178: {  	s3 =	rddreg [dreg:$0x2];
	[bflag:$0x3] =	sbarrier.arrive $0xFFFF;
	s2 =	simm.s32 @!p0 $0x1C09  }
0x179: {  	[timem:s3], [sflag:s2] =	dma.local @!p0 [hbm:s0], s1  }
0x17a: {  	s0 =	simm.s32 @!p0 $0x9  }
0x17b: {  	_ =	swait.ge @!p0 [sflag:s0], s1  }
0x17c: {  	s1 =	ssub.s32 @!p0 $0x0, s1;
	[sflag:s0] =	ssyncset.done @!p0 $0x0  }
0x17d: {  	[sflag:s0] =	ssyncadd.s32 @!p0 s1  }
0x17e: {  	[bflag:$0x3] =	sbarrier.arrive $0xFFFF  }
0x17f: {  	_ =	shalt  }

</sc_bundles>
